<compile_context>
chip_gen: v7x
topology: tpu7x:2x2x1
jax: 0.10.2.dev20260603
libtpu: 0.0.44.dev20260713+nightly
codegen_flags: <defaults>
</compile_context>

<pallas_src>
import functools

import jax
import jax.numpy as jnp
from jax import lax
from jax.experimental import pallas as pl
from jax.experimental.pallas import tpu as pltpu
from jax.experimental.pallas import tpu_sc as plsc

NC = 2
NS = 16
L = 16
NW = NC * NS
BLK = 128
CHUNK = 1280
NBLK = CHUNK // BLK


def _sc_transf_prop(n_points):
    n_blocks = n_points // BLK
    n_chunks = n_points // CHUNK
    steps = -(-n_chunks // NW)
    steps += steps % 2
    mesh = plsc.VectorSubcoreMesh(
        core_axis_name="c", subcore_axis_name="s", num_cores=NC,
        num_subcores=NS)

    buf_set = [
        pltpu.VMEM((NBLK, BLK), jnp.int32),
        pltpu.VMEM((CHUNK,), jnp.int32),
        pltpu.VMEM((CHUNK, 16), jnp.float32),
        pltpu.VMEM((NBLK, 3, BLK), jnp.float32),
        pltpu.VMEM((NBLK, 3, BLK), jnp.float32),
        pltpu.VMEM((3, NBLK, 4, BLK), jnp.float32),
        pltpu.VMEM((NBLK, 4, BLK), jnp.float32),
        pltpu.VMEM((NBLK, 4, BLK), jnp.float32),
        pltpu.SemaphoreType.DMA,
        pltpu.SemaphoreType.DMA,
        pltpu.SemaphoreType.DMA,
    ]
    NB = len(buf_set)

    @functools.partial(
        pl.kernel,
        mesh=mesh,
        out_type=(
            jax.ShapeDtypeStruct((3, n_blocks, 4, BLK), jnp.float32),
            jax.ShapeDtypeStruct((n_blocks, 4, BLK), jnp.float32),
            jax.ShapeDtypeStruct((n_blocks, 4, BLK), jnp.float32),
        ),
        scratch_types=buf_set + buf_set,
        compiler_params=pltpu.CompilerParams(
            needs_layout_passes=False, use_tc_tiling_on_sc=False),
    )
    def sc_kernel(tbl_hbm, edge_hbm, pos_hbm, x_hbm,
                  rp_hbm, tp_hbm, xo_hbm, *bufs):
        B = [bufs[:NB], bufs[NB:]]
        wid = lax.axis_index("s") * NC + lax.axis_index("c")
        lane = lax.iota(jnp.int32, L)

        def in_triples(cid, b):
            b0 = cid * NBLK
            sem = B[b][8]
            return [
                (edge_hbm.at[pl.ds(b0, NBLK), 1, :], B[b][0], sem),
                (pos_hbm.at[pl.ds(b0, NBLK)], B[b][3], sem),
                (x_hbm.at[pl.ds(b0, NBLK)], B[b][4], sem),
            ]

        def repack_idx(b):
            i2, i1 = B[b][0], B[b][1]

            def rep(g, _):
                blk = g // (BLK // L)
                l0 = (g % (BLK // L)) * L
                i1[pl.ds(g * L, L)] = i2[blk, pl.ds(l0, L)]

            lax.fori_loop(0, CHUNK // L, rep, None)

        def gather_args(b):
            return (tbl_hbm.at[B[b][1]], B[b][2], B[b][9])

        def out_triples(cid, b):
            b0 = cid * NBLK
            rp_v, tp_v, xo_v, sem = B[b][5], B[b][6], B[b][7], B[b][10]
            trips = [(rp_v.at[rr], rp_hbm.at[rr, pl.ds(b0, NBLK)], sem)
                     for rr in range(3)]
            trips.append((tp_v, tp_hbm.at[pl.ds(b0, NBLK)], sem))
            trips.append((xo_v, xo_hbm.at[pl.ds(b0, NBLK)], sem))
            return trips

        def compute(b):
            tbl_v, pos_v, x_v = B[b][2], B[b][3], B[b][4]
            rp_v, tp_v, xo_v = B[b][5], B[b][6], B[b][7]

            def group(g, _):
                blk = g // (BLK // L)
                l0 = (g % (BLK // L)) * L
                rows = lane + g * L

                def gat(j):
                    return plsc.load_gather(
                        tbl_v, [rows, jnp.full((L,), j, jnp.int32)])

                r = [gat(j) for j in range(9)]
                t0, t1, t2 = (gat(j) for j in range(9, 12))
                w = gat(12)
                p0 = pos_v[blk, 0, pl.ds(l0, L)]
                p1 = pos_v[blk, 1, pl.ds(l0, L)]
                p2 = pos_v[blk, 2, pl.ds(l0, L)]
                x0 = x_v[blk, 0, pl.ds(l0, L)]
                x1 = x_v[blk, 1, pl.ds(l0, L)]
                x2 = x_v[blk, 2, pl.ds(l0, L)]

                xp0 = r[0] * p0 + r[1] * p1 + r[2] * p2 + t0
                xp1 = r[3] * p0 + r[4] * p1 + r[5] * p2 + t1
                xp2 = r[6] * p0 + r[7] * p1 + r[8] * p2 + t2
                omw = 1.0 - w
                for rr in range(3):
                    for cc in range(3):
                        rp_v[rr, blk, cc, pl.ds(l0, L)] = r[3 * rr + cc]
                tp_v[blk, 0, pl.ds(l0, L)] = t0
                tp_v[blk, 1, pl.ds(l0, L)] = t1
                tp_v[blk, 2, pl.ds(l0, L)] = t2
                xo_v[blk, 0, pl.ds(l0, L)] = x0 * w + xp0 * omw
                xo_v[blk, 1, pl.ds(l0, L)] = x1 * w + xp1 * omw
                xo_v[blk, 2, pl.ds(l0, L)] = x2 * w + xp2 * omw

            plsc.parallel_loop(0, CHUNK // L, unroll=2)(
                lambda g: group(g, None))

        for s, d, sm in in_triples(wid, 0):
            pltpu.async_copy(s, d, sm)
        s, d, sm = in_triples(wid, 0)[0]
        pltpu.make_async_copy(s, d, sm).wait()
        repack_idx(0)
        pltpu.async_copy(*gather_args(0))

        def half_step(k, b):
            cid = k * NW + wid
            nxt = cid + NW
            prv = cid - 2 * NW

            @pl.when(nxt < n_chunks)
            def _issue_next_in():
                for s, d, sm in in_triples(nxt, 1 - b):
                    pltpu.async_copy(s, d, sm)

            @pl.when((k >= 2) & (prv >= 0) & (prv < n_chunks))
            def _drain_prev_out():
                for s, d, sm in out_triples(prv, b):
                    pltpu.make_async_copy(s, d, sm).wait()

            @pl.when(cid < n_chunks)
            def _compute():
                g_s, g_d, g_sm = gather_args(b)
                pltpu.make_async_copy(g_s, g_d, g_sm).wait()
                for s, d, sm in in_triples(cid, b)[1:]:
                    pltpu.make_async_copy(s, d, sm).wait()
                compute(b)
                for s, d, sm in out_triples(cid, b):
                    pltpu.async_copy(s, d, sm)

            @pl.when(nxt < n_chunks)
            def _issue_next_gather():
                s, d, sm = in_triples(nxt, 1 - b)[0]
                pltpu.make_async_copy(s, d, sm).wait()
                repack_idx(1 - b)
                pltpu.async_copy(*gather_args(1 - b))

        def pair(j, _):
            half_step(2 * j, 0)
            half_step(2 * j + 1, 1)

        lax.fori_loop(0, steps // 2, pair, None)

        for b in range(2):
            kd = steps - 2 + b
            cid = kd * NW + wid

            @pl.when(cid < n_chunks)
            def _drain_tail(cid=cid, b=b):
                for s, d, sm in out_triples(cid, b):
                    pltpu.make_async_copy(s, d, sm).wait()

    return sc_kernel


def kernel(x, pos, batch, cluster_weights, R, t, edge_index):
    n = x.shape[0]
    m = R.shape[0]
    nb = n // BLK
    edge3 = (edge_index.astype(jnp.int32).T
             .reshape(nb, BLK, 2).transpose(0, 2, 1))
    table = jnp.concatenate(
        [R.reshape(m, 9), t, cluster_weights,
         jnp.zeros((m, 3), jnp.float32)], axis=1)
    pos3 = pos.reshape(nb, BLK, 3).transpose(0, 2, 1)
    x3 = x.reshape(nb, BLK, 3).transpose(0, 2, 1)
    rp4, tp4, xo4 = _sc_transf_prop(n)(table, edge3, pos3, x3)
    r_point = rp4[:, :, :3, :].transpose(1, 3, 0, 2).reshape(n, 3, 3)
    t_point = tp4[:, :3, :].transpose(0, 2, 1).reshape(n, 3)
    x_out = xo4[:, :3, :].transpose(0, 2, 1).reshape(n, 3)
    return (r_point, t_point, x_out)

# --- scband reference (transcript-rebuilt; emitter-appended) ---
"""Pipeline reference for scband-transf-prop-module-33397665694031 (READ-ONLY COPY).

The authoritative reference and input builder live on the scoring server;
editing this copy changes nothing except your own understanding.
"""

import jax, jax.numpy as jnp
import numpy as np

N = 1600000
M = 50000

def setup_inputs(seed: int = 0) -> dict:
    key = jax.random.key(seed)
    k1, k2, k3, k4, k5, k6, k7 = jax.random.split(key, 7)
    x = jax.random.normal(k1, (N, 3), dtype=jnp.float32)
    pos = jax.random.normal(k2, (N, 3), dtype=jnp.float32)
    batch = jnp.sort(jax.random.randint(k3, (N,), 0, 16)).astype(jnp.int64)
    cluster_weights = jax.random.uniform(k4, (M, 1), dtype=jnp.float32)
    R = jax.random.normal(k5, (M, 3, 3), dtype=jnp.float32)
    t = jax.random.normal(k6, (M, 3), dtype=jnp.float32)
    edge_index = jax.random.randint(k7, (2, N), 0, M).astype(jnp.int64)
    return {"x": x, "pos": pos, "batch": batch, "cluster_weights": cluster_weights, "R": R, "t": t, "edge_index": edge_index}

def reference(x, pos, batch, cluster_weights, R, t, edge_index):
    point_idx = edge_index[0]
    cluster_idx = edge_index[1]
    # R_point = R.view(-1,9).index_select(0, cluster_idx).view(-1,3,3)
    R_point = jnp.take(R.reshape(-1, 9), cluster_idx, axis=0).reshape(-1, 3, 3)
    t_point = jnp.take(t, cluster_idx, axis=0)
    x_pred = jnp.squeeze(jnp.matmul(R_point, pos[:, :, None]) + t_point[:, :, None], axis=-1)
    point_weights = jnp.take(cluster_weights, cluster_idx, axis=0)
    x_out = x * point_weights + x_pred * (1.0 - point_weights)
    return (R_point, t_point, x_out)

if __name__ == "__main__":
    import jax
    _d = setup_inputs()
    print(jax.jit(kernel)(*tuple(_d.values())))

</pallas_src>

<mosaic_0001>
#map = affine_map<(d0, d1) -> (0, 0)>
#map1 = affine_map<(d0, d1) -> (0, 0, 0)>
#map2 = affine_map<(d0, d1) -> (0, 0, 0, 0)>
module attributes {stable_mosaic.version = 14 : i64} {
  func.func @sc_kernel(%arg0: i32, %arg1: i32, %arg2: memref<50000x16xf32, #tpu.memory_space<hbm>>, %arg3: memref<12500x2x128xi32, #tpu.memory_space<hbm>>, %arg4: memref<12500x3x128xf32, #tpu.memory_space<hbm>>, %arg5: memref<12500x3x128xf32, #tpu.memory_space<hbm>>, %arg6: memref<3x12500x4x128xf32, #tpu.memory_space<hbm>>, %arg7: memref<12500x4x128xf32, #tpu.memory_space<hbm>>, %arg8: memref<12500x4x128xf32, #tpu.memory_space<hbm>>, %arg9: memref<10x128xi32, #tpu.memory_space<vmem>>, %arg10: memref<1280xi32, #tpu.memory_space<vmem>>, %arg11: memref<1280x16xf32, #tpu.memory_space<vmem>>, %arg12: memref<10x3x128xf32, #tpu.memory_space<vmem>>, %arg13: memref<10x3x128xf32, #tpu.memory_space<vmem>>, %arg14: memref<3x10x4x128xf32, #tpu.memory_space<vmem>>, %arg15: memref<10x4x128xf32, #tpu.memory_space<vmem>>, %arg16: memref<10x4x128xf32, #tpu.memory_space<vmem>>, %arg17: memref<!tpu.dma_semaphore, #tpu.memory_space<semaphore_mem>>, %arg18: memref<!tpu.dma_semaphore, #tpu.memory_space<semaphore_mem>>, %arg19: memref<!tpu.dma_semaphore, #tpu.memory_space<semaphore_mem>>, %arg20: memref<10x128xi32, #tpu.memory_space<vmem>>, %arg21: memref<1280xi32, #tpu.memory_space<vmem>>, %arg22: memref<1280x16xf32, #tpu.memory_space<vmem>>, %arg23: memref<10x3x128xf32, #tpu.memory_space<vmem>>, %arg24: memref<10x3x128xf32, #tpu.memory_space<vmem>>, %arg25: memref<3x10x4x128xf32, #tpu.memory_space<vmem>>, %arg26: memref<10x4x128xf32, #tpu.memory_space<vmem>>, %arg27: memref<10x4x128xf32, #tpu.memory_space<vmem>>, %arg28: memref<!tpu.dma_semaphore, #tpu.memory_space<semaphore_mem>>, %arg29: memref<!tpu.dma_semaphore, #tpu.memory_space<semaphore_mem>>, %arg30: memref<!tpu.dma_semaphore, #tpu.memory_space<semaphore_mem>>) attributes {dimension_semantics = [#tpu.dimension_semantics<core_parallel>, #tpu.dimension_semantics<subcore_parallel>], iteration_bounds = array<i64: 2, 16>, scalar_prefetch = 0 : i64, scratch_operands = 22 : i64, tpu.core_type = #tpu.core_type<sc_vector_subcore>, window_params = [{transform_indices = #map}, {transform_indices = #map1}, {transform_indices = #map1}, {transform_indices = #map1}, {transform_indices = #map2}, {transform_indices = #map1}, {transform_indices = #map1}]} {
    %mul3A = arith.constant 2 : i32
    %mul3A_0 = arith.muli %arg1, %mul3A : i32
    %add3A = arith.addi %mul3A_0, %arg0 : i32
    %iota3A = tpu.iota {dimensions = array<i32: 0>} : vector<16xi32>
    %mul3A_1 = arith.constant 10 : i32
    %mul3A_2 = arith.muli %add3A, %mul3A_1 : i32
    %dma_start3A = arith.constant 1 : i32
    %dma_start3A_3 = arith.constant 0 : i32
    %dma_start3A_4 = tpu.memref_slice %arg3[%mul3A_2, %dma_start3A, %dma_start3A_3] : memref<12500x2x128xi32, #tpu.memory_space<hbm>> -> memref<10x1x128xi32, #tpu.memory_space<hbm>>
    %dma_start3A_5 = tpu.memref_squeeze %dma_start3A_4 : memref<10x1x128xi32, #tpu.memory_space<hbm>> -> memref<10x128xi32, #tpu.memory_space<hbm>>
    %dma_start3A_6 = arith.constant 0 : i32
    %dma_start3A_7 = tpu.memref_slice %arg3[%mul3A_2, %dma_start3A, %dma_start3A_6] : memref<12500x2x128xi32, #tpu.memory_space<hbm>> -> memref<10x1x128xi32, #tpu.memory_space<hbm>>
    %dma_start3A_8 = tpu.memref_squeeze %dma_start3A_7 : memref<10x1x128xi32, #tpu.memory_space<hbm>> -> memref<10x128xi32, #tpu.memory_space<hbm>>
    tpu.enqueue_dma source(%dma_start3A_8 : memref<10x128xi32, #tpu.memory_space<hbm>>) target(%arg9 : memref<10x128xi32, #tpu.memory_space<vmem>>) target_semaphore(%arg17 : memref<!tpu.dma_semaphore, #tpu.memory_space<semaphore_mem>>)
    %dma_start3A_9 = arith.constant 0 : i32
    %dma_start3A_10 = arith.constant 0 : i32
    %dma_start3A_11 = tpu.memref_slice %arg4[%mul3A_2, %dma_start3A_9, %dma_start3A_10] : memref<12500x3x128xf32, #tpu.memory_space<hbm>> -> memref<10x3x128xf32, #tpu.memory_space<hbm>>
    %dma_start3A_12 = arith.constant 0 : i32
    %dma_start3A_13 = arith.constant 0 : i32
    %dma_start3A_14 = tpu.memref_slice %arg4[%mul3A_2, %dma_start3A_12, %dma_start3A_13] : memref<12500x3x128xf32, #tpu.memory_space<hbm>> -> memref<10x3x128xf32, #tpu.memory_space<hbm>>
    tpu.enqueue_dma source(%dma_start3A_14 : memref<10x3x128xf32, #tpu.memory_space<hbm>>) target(%arg12 : memref<10x3x128xf32, #tpu.memory_space<vmem>>) target_semaphore(%arg17 : memref<!tpu.dma_semaphore, #tpu.memory_space<semaphore_mem>>)
    %dma_start3A_15 = arith.constant 0 : i32
    %dma_start3A_16 = arith.constant 0 : i32
    %dma_start3A_17 = tpu.memref_slice %arg5[%mul3A_2, %dma_start3A_15, %dma_start3A_16] : memref<12500x3x128xf32, #tpu.memory_space<hbm>> -> memref<10x3x128xf32, #tpu.memory_space<hbm>>
    %dma_start3A_18 = arith.constant 0 : i32
    %dma_start3A_19 = arith.constant 0 : i32
    %dma_start3A_20 = tpu.memref_slice %arg5[%mul3A_2, %dma_start3A_18, %dma_start3A_19] : memref<12500x3x128xf32, #tpu.memory_space<hbm>> -> memref<10x3x128xf32, #tpu.memory_space<hbm>>
    tpu.enqueue_dma source(%dma_start3A_20 : memref<10x3x128xf32, #tpu.memory_space<hbm>>) target(%arg13 : memref<10x3x128xf32, #tpu.memory_space<vmem>>) target_semaphore(%arg17 : memref<!tpu.dma_semaphore, #tpu.memory_space<semaphore_mem>>)
    %mul3A_21 = arith.constant 10 : i32
    %mul3A_22 = arith.muli %add3A, %mul3A_21 : i32
    %dma_wait3A = arith.constant 1 : i32
    %dma_wait3A_23 = arith.constant 0 : i32
    %dma_wait3A_24 = tpu.memref_slice %arg3[%mul3A_22, %dma_wait3A, %dma_wait3A_23] : memref<12500x2x128xi32, #tpu.memory_space<hbm>> -> memref<10x1x128xi32, #tpu.memory_space<hbm>>
    %dma_wait3A_25 = tpu.memref_squeeze %dma_wait3A_24 : memref<10x1x128xi32, #tpu.memory_space<hbm>> -> memref<10x128xi32, #tpu.memory_space<hbm>>
    %dma_wait3A_26 = arith.constant 0 : i32
    %dma_wait3A_27 = tpu.memref_slice %arg3[%mul3A_22, %dma_wait3A, %dma_wait3A_26] : memref<12500x2x128xi32, #tpu.memory_space<hbm>> -> memref<10x1x128xi32, #tpu.memory_space<hbm>>
    %dma_wait3A_28 = tpu.memref_squeeze %dma_wait3A_27 : memref<10x1x128xi32, #tpu.memory_space<hbm>> -> memref<10x128xi32, #tpu.memory_space<hbm>>
    tpu.wait_dma2 semaphore(%arg17 : memref<!tpu.dma_semaphore, #tpu.memory_space<semaphore_mem>>) src(%dma_wait3A_28 : memref<10x128xi32, #tpu.memory_space<hbm>>) dst(%arg9 : memref<10x128xi32, #tpu.memory_space<vmem>>)
    %scan3A = arith.constant 0 : i32
    %scan3A_29 = arith.constant 80 : i32
    %scan3A_30 = arith.addi %scan3A, %scan3A_29 : i32
    %scan3A_31 = arith.constant 1 : i32
    scf.for %scan3A_52 = %scan3A to %scan3A_30 step %scan3A_31  : i32 {
      %jit3A = arith.constant 8 : i32
      %div3A = arith.divsi %scan3A_52, %jit3A : i32
      %sign3A = arith.constant 0 : i32
      %sign3A_53 = arith.cmpi sgt, %scan3A_52, %sign3A : i32
      %sign3A_54 = arith.extui %sign3A_53 : i1 to i32
      %sign3A_55 = arith.constant 0 : i32
      %sign3A_56 = arith.cmpi slt, %scan3A_52, %sign3A_55 : i32
      %sign3A_57 = arith.extui %sign3A_56 : i1 to i32
      %sign3A_58 = arith.subi %sign3A_54, %sign3A_57 : i32
      %sign3A_59 = arith.constant 0 : i32
      %sign3A_60 = arith.cmpi sgt, %jit3A, %sign3A_59 : i32
      %sign3A_61 = arith.extui %sign3A_60 : i1 to i32
      %sign3A_62 = arith.constant 0 : i32
      %sign3A_63 = arith.cmpi slt, %jit3A, %sign3A_62 : i32
      %sign3A_64 = arith.extui %sign3A_63 : i1 to i32
      %sign3A_65 = arith.subi %sign3A_61, %sign3A_64 : i32
      %ne3A = arith.cmpi ne, %sign3A_58, %sign3A_65 : i32
      %rem3A = arith.remsi %scan3A_52, %jit3A : i32
      %ne3A_66 = arith.constant 0 : i32
      %ne3A_67 = arith.cmpi ne, %rem3A, %ne3A_66 : i32
      %and3A = arith.andi %ne3A, %ne3A_67 : i1
      %sub3A = arith.constant 1 : i32
      %sub3A_68 = arith.subi %div3A, %sub3A : i32
      %select_n3A = arith.select %and3A, %sub3A_68, %div3A : i32
      %jit3A_69 = arith.constant 8 : i32
      %eq3A = arith.constant 0 : i32
      %eq3A_70 = arith.cmpi eq, %jit3A_69, %eq3A : i32
      %jit3A_71 = arith.constant 1 : i32
      %select_n3A_72 = arith.select %eq3A_70, %jit3A_71, %jit3A_69 : i32
      %rem3A_73 = arith.remsi %scan3A_52, %select_n3A_72 : i32
      %ne3A_74 = arith.constant 0 : i32
      %ne3A_75 = arith.cmpi ne, %rem3A_73, %ne3A_74 : i32
      %lt3A_76 = arith.constant 0 : i32
      %lt3A_77 = arith.cmpi slt, %rem3A_73, %lt3A_76 : i32
      %lt3A_78 = arith.constant 0 : i32
      %lt3A_79 = arith.cmpi slt, %select_n3A_72, %lt3A_78 : i32
      %ne3A_80 = arith.xori %lt3A_77, %lt3A_79 : i1
      %and3A_81 = arith.andi %ne3A_80, %ne3A_75 : i1
      %add3A_82 = arith.addi %rem3A_73, %select_n3A_72 : i32
      %select_n3A_83 = arith.select %and3A_81, %add3A_82, %rem3A_73 : i32
      %mul3A_84 = arith.constant 16 : i32
      %mul3A_85 = arith.muli %select_n3A_83, %mul3A_84 : i32
      %get3A = arith.index_cast %select_n3A : i32 to index
      %get3A_86 = arith.index_cast %mul3A_85 : i32 to index
      %get3A_87 = tpu.vector_load %arg9[%get3A, %get3A_86] {strides = array<i32>} : memref<10x128xi32, #tpu.memory_space<vmem>>, vector<16xi32>,
      %mul3A_88 = arith.constant 16 : i32
      %mul3A_89 = arith.muli %scan3A_52, %mul3A_88 : i32
      %swap3A = arith.index_cast %mul3A_89 : i32 to index
      %swap3A_90 = tpu.vector_load %arg10[%swap3A] {strides = array<i32>} : memref<1280xi32, #tpu.memory_space<vmem>>, vector<16xi32>,
      tpu.vector_store %arg10[%swap3A], %get3A_87 {strides = array<i32>} : memref<1280xi32, #tpu.memory_space<vmem>>, vector<16xi32>,
    }
    %scan3A_32 = arith.constant 80 : i32
    %dma_start3A_33 = arith.constant 0 : i32
    %dma_start3A_34 = arith.constant 0 : i32
    %dma_start3A_35 = tpu.memref_slice %arg2[%dma_start3A_33, %dma_start3A_34] : memref<50000x16xf32, #tpu.memory_space<hbm>> -> memref<50000x16xf32, #tpu.memory_space<hbm>>
    tpu.enqueue_indirect_dma source(%dma_start3A_35 : memref<50000x16xf32, #tpu.memory_space<hbm>>) target(%arg11 : memref<1280x16xf32, #tpu.memory_space<vmem>>) offsets(%arg10 : memref<1280xi32, #tpu.memory_space<vmem>>) semaphore(%arg18 : memref<!tpu.dma_semaphore, #tpu.memory_space<semaphore_mem>>)
    %scan3A_36 = arith.constant 0 : i32
    %scan3A_37 = arith.constant 20 : i32
    %scan3A_38 = arith.addi %scan3A_36, %scan3A_37 : i32
    %scan3A_39 = arith.constant 1 : i32
    scf.for %scan3A_52 = %scan3A_36 to %scan3A_38 step %scan3A_39  : i32 {
      %mul3A_53 = arith.constant 2 : i32
      %mul3A_54 = arith.muli %mul3A_53, %scan3A_52 : i32
      %mul3A_55 = arith.constant 32 : i32
      %mul3A_56 = arith.muli %mul3A_54, %mul3A_55 : i32
      %add3A_57 = arith.addi %mul3A_56, %add3A : i32
      %add3A_58 = arith.constant 32 : i32
      %add3A_59 = arith.addi %add3A_57, %add3A_58 : i32
      %sub3A = arith.constant 64 : i32
      %sub3A_60 = arith.subi %add3A_57, %sub3A : i32
      %lt3A_61 = arith.constant 1250 : i32
      %lt3A_62 = arith.cmpi slt, %add3A_59, %lt3A_61 : i32
      %convert_element_type3A_63 = arith.extui %lt3A_62 : i1 to i32
      %cond3A_64 = arith.constant 0 : i32
      %cond3A_65 = arith.cmpi ne, %convert_element_type3A_63, %cond3A_64 : i32
      scf.if %cond3A_65 {
        %mul3A_122 = arith.constant 10 : i32
        %mul3A_123 = arith.muli %add3A_59, %mul3A_122 : i32
        %dma_start3A_124 = arith.constant 1 : i32
        %dma_start3A_125 = arith.constant 0 : i32
        %dma_start3A_126 = tpu.memref_slice %arg3[%mul3A_123, %dma_start3A_124, %dma_start3A_125] : memref<12500x2x128xi32, #tpu.memory_space<hbm>> -> memref<10x1x128xi32, #tpu.memory_space<hbm>>
        %dma_start3A_127 = tpu.memref_squeeze %dma_start3A_126 : memref<10x1x128xi32, #tpu.memory_space<hbm>> -> memref<10x128xi32, #tpu.memory_space<hbm>>
        %dma_start3A_128 = arith.constant 0 : i32
        %dma_start3A_129 = tpu.memref_slice %arg3[%mul3A_123, %dma_start3A_124, %dma_start3A_128] : memref<12500x2x128xi32, #tpu.memory_space<hbm>> -> memref<10x1x128xi32, #tpu.memory_space<hbm>>
        %dma_start3A_130 = tpu.memref_squeeze %dma_start3A_129 : memref<10x1x128xi32, #tpu.memory_space<hbm>> -> memref<10x128xi32, #tpu.memory_space<hbm>>
        tpu.enqueue_dma source(%dma_start3A_130 : memref<10x128xi32, #tpu.memory_space<hbm>>) target(%arg20 : memref<10x128xi32, #tpu.memory_space<vmem>>) target_semaphore(%arg28 : memref<!tpu.dma_semaphore, #tpu.memory_space<semaphore_mem>>)
        %dma_start3A_131 = arith.constant 0 : i32
        %dma_start3A_132 = arith.constant 0 : i32
        %dma_start3A_133 = tpu.memref_slice %arg4[%mul3A_123, %dma_start3A_131, %dma_start3A_132] : memref<12500x3x128xf32, #tpu.memory_space<hbm>> -> memref<10x3x128xf32, #tpu.memory_space<hbm>>
        %dma_start3A_134 = arith.constant 0 : i32
        %dma_start3A_135 = arith.constant 0 : i32
        %dma_start3A_136 = tpu.memref_slice %arg4[%mul3A_123, %dma_start3A_134, %dma_start3A_135] : memref<12500x3x128xf32, #tpu.memory_space<hbm>> -> memref<10x3x128xf32, #tpu.memory_space<hbm>>
        tpu.enqueue_dma source(%dma_start3A_136 : memref<10x3x128xf32, #tpu.memory_space<hbm>>) target(%arg23 : memref<10x3x128xf32, #tpu.memory_space<vmem>>) target_semaphore(%arg28 : memref<!tpu.dma_semaphore, #tpu.memory_space<semaphore_mem>>)
        %dma_start3A_137 = arith.constant 0 : i32
        %dma_start3A_138 = arith.constant 0 : i32
        %dma_start3A_139 = tpu.memref_slice %arg5[%mul3A_123, %dma_start3A_137, %dma_start3A_138] : memref<12500x3x128xf32, #tpu.memory_space<hbm>> -> memref<10x3x128xf32, #tpu.memory_space<hbm>>
        %dma_start3A_140 = arith.constant 0 : i32
        %dma_start3A_141 = arith.constant 0 : i32
        %dma_start3A_142 = tpu.memref_slice %arg5[%mul3A_123, %dma_start3A_140, %dma_start3A_141] : memref<12500x3x128xf32, #tpu.memory_space<hbm>> -> memref<10x3x128xf32, #tpu.memory_space<hbm>>
        tpu.enqueue_dma source(%dma_start3A_142 : memref<10x3x128xf32, #tpu.memory_space<hbm>>) target(%arg24 : memref<10x3x128xf32, #tpu.memory_space<vmem>>) target_semaphore(%arg28 : memref<!tpu.dma_semaphore, #tpu.memory_space<semaphore_mem>>)
      } else {
      }
      %ge3A = arith.constant 2 : i32
      %ge3A_66 = arith.cmpi sge, %mul3A_54, %ge3A : i32
      %ge3A_67 = arith.constant 0 : i32
      %ge3A_68 = arith.cmpi sge, %sub3A_60, %ge3A_67 : i32
      %and3A = arith.andi %ge3A_66, %ge3A_68 : i1
      %lt3A_69 = arith.constant 1250 : i32
      %lt3A_70 = arith.cmpi slt, %sub3A_60, %lt3A_69 : i32
      %and3A_71 = arith.andi %and3A, %lt3A_70 : i1
      %convert_element_type3A_72 = arith.extui %and3A_71 : i1 to i32
      %cond3A_73 = arith.constant 0 : i32
      %cond3A_74 = arith.cmpi ne, %convert_element_type3A_72, %cond3A_73 : i32
      scf.if %cond3A_74 {
        %mul3A_122 = arith.constant 10 : i32
        %mul3A_123 = arith.muli %sub3A_60, %mul3A_122 : i32
        %dma_wait3A_124 = arith.constant 0 : i32
        %dma_wait3A_125 = arith.constant 0 : i32
        %dma_wait3A_126 = arith.constant 0 : i32
        %dma_wait3A_127 = arith.constant 0 : i32
        %dma_wait3A_128 = arith.constant 0 : i32
        %dma_wait3A_129 = tpu.memref_slice %arg14[%dma_wait3A_124, %dma_wait3A_126, %dma_wait3A_127, %dma_wait3A_128] : memref<3x10x4x128xf32, #tpu.memory_space<vmem>> -> memref<1x10x4x128xf32, #tpu.memory_space<vmem>>
        %dma_wait3A_130 = tpu.memref_squeeze %dma_wait3A_129 : memref<1x10x4x128xf32, #tpu.memory_space<vmem>> -> memref<10x4x128xf32, #tpu.memory_space<vmem>>
        %dma_wait3A_131 = arith.constant 0 : i32
        %dma_wait3A_132 = arith.constant 0 : i32
        %dma_wait3A_133 = tpu.memref_slice %arg6[%dma_wait3A_125, %mul3A_123, %dma_wait3A_131, %dma_wait3A_132] : memref<3x12500x4x128xf32, #tpu.memory_space<hbm>> -> memref<1x10x4x128xf32, #tpu.memory_space<hbm>>
        %dma_wait3A_134 = tpu.memref_squeeze %dma_wait3A_133 : memref<1x10x4x128xf32, #tpu.memory_space<hbm>> -> memref<10x4x128xf32, #tpu.memory_space<hbm>>
        %dma_wait3A_135 = arith.constant 0 : i32
        %dma_wait3A_136 = arith.constant 0 : i32
        %dma_wait3A_137 = tpu.memref_slice %arg6[%dma_wait3A_125, %mul3A_123, %dma_wait3A_135, %dma_wait3A_136] : memref<3x12500x4x128xf32, #tpu.memory_space<hbm>> -> memref<1x10x4x128xf32, #tpu.memory_space<hbm>>
        %dma_wait3A_138 = tpu.memref_squeeze %dma_wait3A_137 : memref<1x10x4x128xf32, #tpu.memory_space<hbm>> -> memref<10x4x128xf32, #tpu.memory_space<hbm>>
        %dma_wait3A_139 = arith.constant 0 : i32
        %dma_wait3A_140 = arith.constant 0 : i32
        %dma_wait3A_141 = arith.constant 0 : i32
        %dma_wait3A_142 = tpu.memref_slice %arg14[%dma_wait3A_124, %dma_wait3A_139, %dma_wait3A_140, %dma_wait3A_141] : memref<3x10x4x128xf32, #tpu.memory_space<vmem>> -> memref<1x10x4x128xf32, #tpu.memory_space<vmem>>
        %dma_wait3A_143 = tpu.memref_squeeze %dma_wait3A_142 : memref<1x10x4x128xf32, #tpu.memory_space<vmem>> -> memref<10x4x128xf32, #tpu.memory_space<vmem>>
        tpu.wait_dma2 semaphore(%arg19 : memref<!tpu.dma_semaphore, #tpu.memory_space<semaphore_mem>>) src(%dma_wait3A_143 : memref<10x4x128xf32, #tpu.memory_space<vmem>>) dst(%dma_wait3A_138 : memref<10x4x128xf32, #tpu.memory_space<hbm>>)
        %dma_wait3A_144 = arith.constant 1 : i32
        %dma_wait3A_145 = arith.constant 1 : i32
        %dma_wait3A_146 = arith.constant 0 : i32
        %dma_wait3A_147 = arith.constant 0 : i32
        %dma_wait3A_148 = arith.constant 0 : i32
        %dma_wait3A_149 = tpu.memref_slice %arg14[%dma_wait3A_144, %dma_wait3A_146, %dma_wait3A_147, %dma_wait3A_148] : memref<3x10x4x128xf32, #tpu.memory_space<vmem>> -> memref<1x10x4x128xf32, #tpu.memory_space<vmem>>
        %dma_wait3A_150 = tpu.memref_squeeze %dma_wait3A_149 : memref<1x10x4x128xf32, #tpu.memory_space<vmem>> -> memref<10x4x128xf32, #tpu.memory_space<vmem>>
        %dma_wait3A_151 = arith.constant 0 : i32
        %dma_wait3A_152 = arith.constant 0 : i32
        %dma_wait3A_153 = tpu.memref_slice %arg6[%dma_wait3A_145, %mul3A_123, %dma_wait3A_151, %dma_wait3A_152] : memref<3x12500x4x128xf32, #tpu.memory_space<hbm>> -> memref<1x10x4x128xf32, #tpu.memory_space<hbm>>
        %dma_wait3A_154 = tpu.memref_squeeze %dma_wait3A_153 : memref<1x10x4x128xf32, #tpu.memory_space<hbm>> -> memref<10x4x128xf32, #tpu.memory_space<hbm>>
        %dma_wait3A_155 = arith.constant 0 : i32
        %dma_wait3A_156 = arith.constant 0 : i32
        %dma_wait3A_157 = tpu.memref_slice %arg6[%dma_wait3A_145, %mul3A_123, %dma_wait3A_155, %dma_wait3A_156] : memref<3x12500x4x128xf32, #tpu.memory_space<hbm>> -> memref<1x10x4x128xf32, #tpu.memory_space<hbm>>
        %dma_wait3A_158 = tpu.memref_squeeze %dma_wait3A_157 : memref<1x10x4x128xf32, #tpu.memory_space<hbm>> -> memref<10x4x128xf32, #tpu.memory_space<hbm>>
        %dma_wait3A_159 = arith.constant 0 : i32
        %dma_wait3A_160 = arith.constant 0 : i32
        %dma_wait3A_161 = arith.constant 0 : i32
        %dma_wait3A_162 = tpu.memref_slice %arg14[%dma_wait3A_144, %dma_wait3A_159, %dma_wait3A_160, %dma_wait3A_161] : memref<3x10x4x128xf32, #tpu.memory_space<vmem>> -> memref<1x10x4x128xf32, #tpu.memory_space<vmem>>
        %dma_wait3A_163 = tpu.memref_squeeze %dma_wait3A_162 : memref<1x10x4x128xf32, #tpu.memory_space<vmem>> -> memref<10x4x128xf32, #tpu.memory_space<vmem>>
        tpu.wait_dma2 semaphore(%arg19 : memref<!tpu.dma_semaphore, #tpu.memory_space<semaphore_mem>>) src(%dma_wait3A_163 : memref<10x4x128xf32, #tpu.memory_space<vmem>>) dst(%dma_wait3A_158 : memref<10x4x128xf32, #tpu.memory_space<hbm>>)
        %dma_wait3A_164 = arith.constant 2 : i32
        %dma_wait3A_165 = arith.constant 2 : i32
        %dma_wait3A_166 = arith.constant 0 : i32
        %dma_wait3A_167 = arith.constant 0 : i32
        %dma_wait3A_168 = arith.constant 0 : i32
        %dma_wait3A_169 = tpu.memref_slice %arg14[%dma_wait3A_164, %dma_wait3A_166, %dma_wait3A_167, %dma_wait3A_168] : memref<3x10x4x128xf32, #tpu.memory_space<vmem>> -> memref<1x10x4x128xf32, #tpu.memory_space<vmem>>
        %dma_wait3A_170 = tpu.memref_squeeze %dma_wait3A_169 : memref<1x10x4x128xf32, #tpu.memory_space<vmem>> -> memref<10x4x128xf32, #tpu.memory_space<vmem>>
        %dma_wait3A_171 = arith.constant 0 : i32
        %dma_wait3A_172 = arith.constant 0 : i32
        %dma_wait3A_173 = tpu.memref_slice %arg6[%dma_wait3A_165, %mul3A_123, %dma_wait3A_171, %dma_wait3A_172] : memref<3x12500x4x128xf32, #tpu.memory_space<hbm>> -> memref<1x10x4x128xf32, #tpu.memory_space<hbm>>
        %dma_wait3A_174 = tpu.memref_squeeze %dma_wait3A_173 : memref<1x10x4x128xf32, #tpu.memory_space<hbm>> -> memref<10x4x128xf32, #tpu.memory_space<hbm>>
        %dma_wait3A_175 = arith.constant 0 : i32
        %dma_wait3A_176 = arith.constant 0 : i32
        %dma_wait3A_177 = tpu.memref_slice %arg6[%dma_wait3A_165, %mul3A_123, %dma_wait3A_175, %dma_wait3A_176] : memref<3x12500x4x128xf32, #tpu.memory_space<hbm>> -> memref<1x10x4x128xf32, #tpu.memory_space<hbm>>
        %dma_wait3A_178 = tpu.memref_squeeze %dma_wait3A_177 : memref<1x10x4x128xf32, #tpu.memory_space<hbm>> -> memref<10x4x128xf32, #tpu.memory_space<hbm>>
        %dma_wait3A_179 = arith.constant 0 : i32
        %dma_wait3A_180 = arith.constant 0 : i32
        %dma_wait3A_181 = arith.constant 0 : i32
        %dma_wait3A_182 = tpu.memref_slice %arg14[%dma_wait3A_164, %dma_wait3A_179, %dma_wait3A_180, %dma_wait3A_181] : memref<3x10x4x128xf32, #tpu.memory_space<vmem>> -> memref<1x10x4x128xf32, #tpu.memory_space<vmem>>
        %dma_wait3A_183 = tpu.memref_squeeze %dma_wait3A_182 : memref<1x10x4x128xf32, #tpu.memory_space<vmem>> -> memref<10x4x128xf32, #tpu.memory_space<vmem>>
        tpu.wait_dma2 semaphore(%arg19 : memref<!tpu.dma_semaphore, #tpu.memory_space<semaphore_mem>>) src(%dma_wait3A_183 : memref<10x4x128xf32, #tpu.memory_space<vmem>>) dst(%dma_wait3A_178 : memref<10x4x128xf32, #tpu.memory_space<hbm>>)
        %dma_wait3A_184 = arith.constant 0 : i32
        %dma_wait3A_185 = arith.constant 0 : i32
        %dma_wait3A_186 = tpu.memref_slice %arg7[%mul3A_123, %dma_wait3A_184, %dma_wait3A_185] : memref<12500x4x128xf32, #tpu.memory_space<hbm>> -> memref<10x4x128xf32, #tpu.memory_space<hbm>>
        %dma_wait3A_187 = arith.constant 0 : i32
        %dma_wait3A_188 = arith.constant 0 : i32
        %dma_wait3A_189 = tpu.memref_slice %arg7[%mul3A_123, %dma_wait3A_187, %dma_wait3A_188] : memref<12500x4x128xf32, #tpu.memory_space<hbm>> -> memref<10x4x128xf32, #tpu.memory_space<hbm>>
        tpu.wait_dma2 semaphore(%arg19 : memref<!tpu.dma_semaphore, #tpu.memory_space<semaphore_mem>>) src(%arg15 : memref<10x4x128xf32, #tpu.memory_space<vmem>>) dst(%dma_wait3A_189 : memref<10x4x128xf32, #tpu.memory_space<hbm>>)
        %dma_wait3A_190 = arith.constant 0 : i32
        %dma_wait3A_191 = arith.constant 0 : i32
        %dma_wait3A_192 = tpu.memref_slice %arg8[%mul3A_123, %dma_wait3A_190, %dma_wait3A_191] : memref<12500x4x128xf32, #tpu.memory_space<hbm>> -> memref<10x4x128xf32, #tpu.memory_space<hbm>>
        %dma_wait3A_193 = arith.constant 0 : i32
        %dma_wait3A_194 = arith.constant 0 : i32
        %dma_wait3A_195 = tpu.memref_slice %arg8[%mul3A_123, %dma_wait3A_193, %dma_wait3A_194] : memref<12500x4x128xf32, #tpu.memory_space<hbm>> -> memref<10x4x128xf32, #tpu.memory_space<hbm>>
        tpu.wait_dma2 semaphore(%arg19 : memref<!tpu.dma_semaphore, #tpu.memory_space<semaphore_mem>>) src(%arg16 : memref<10x4x128xf32, #tpu.memory_space<vmem>>) dst(%dma_wait3A_195 : memref<10x4x128xf32, #tpu.memory_space<hbm>>)
      } else {
      }
      %lt3A_75 = arith.constant 1250 : i32
      %lt3A_76 = arith.cmpi slt, %add3A_57, %lt3A_75 : i32
      %convert_element_type3A_77 = arith.extui %lt3A_76 : i1 to i32
      %cond3A_78 = arith.constant 0 : i32
      %cond3A_79 = arith.cmpi ne, %convert_element_type3A_77, %cond3A_78 : i32
      scf.if %cond3A_79 {
        %dma_wait3A_122 = arith.constant 0 : i32
        %dma_wait3A_123 = arith.constant 0 : i32
        %dma_wait3A_124 = tpu.memref_slice %arg2[%dma_wait3A_122, %dma_wait3A_123] : memref<50000x16xf32, #tpu.memory_space<hbm>> -> memref<50000x16xf32, #tpu.memory_space<hbm>>
        tpu.wait_indirect_dma semaphore(%arg18 : memref<!tpu.dma_semaphore, #tpu.memory_space<semaphore_mem>>) src(%dma_wait3A_124 : memref<50000x16xf32, #tpu.memory_space<hbm>>) dst(%arg11 : memref<1280x16xf32, #tpu.memory_space<vmem>>)
        %mul3A_125 = arith.constant 10 : i32
        %mul3A_126 = arith.muli %add3A_57, %mul3A_125 : i32
        %dma_wait3A_127 = arith.constant 0 : i32
        %dma_wait3A_128 = arith.constant 0 : i32
        %dma_wait3A_129 = tpu.memref_slice %arg4[%mul3A_126, %dma_wait3A_127, %dma_wait3A_128] : memref<12500x3x128xf32, #tpu.memory_space<hbm>> -> memref<10x3x128xf32, #tpu.memory_space<hbm>>
        %dma_wait3A_130 = arith.constant 0 : i32
        %dma_wait3A_131 = arith.constant 0 : i32
        %dma_wait3A_132 = tpu.memref_slice %arg4[%mul3A_126, %dma_wait3A_130, %dma_wait3A_131] : memref<12500x3x128xf32, #tpu.memory_space<hbm>> -> memref<10x3x128xf32, #tpu.memory_space<hbm>>
        tpu.wait_dma2 semaphore(%arg17 : memref<!tpu.dma_semaphore, #tpu.memory_space<semaphore_mem>>) src(%dma_wait3A_132 : memref<10x3x128xf32, #tpu.memory_space<hbm>>) dst(%arg12 : memref<10x3x128xf32, #tpu.memory_space<vmem>>)
        %dma_wait3A_133 = arith.constant 0 : i32
        %dma_wait3A_134 = arith.constant 0 : i32
        %dma_wait3A_135 = tpu.memref_slice %arg5[%mul3A_126, %dma_wait3A_133, %dma_wait3A_134] : memref<12500x3x128xf32, #tpu.memory_space<hbm>> -> memref<10x3x128xf32, #tpu.memory_space<hbm>>
        %dma_wait3A_136 = arith.constant 0 : i32
        %dma_wait3A_137 = arith.constant 0 : i32
        %dma_wait3A_138 = tpu.memref_slice %arg5[%mul3A_126, %dma_wait3A_136, %dma_wait3A_137] : memref<12500x3x128xf32, #tpu.memory_space<hbm>> -> memref<10x3x128xf32, #tpu.memory_space<hbm>>
        tpu.wait_dma2 semaphore(%arg17 : memref<!tpu.dma_semaphore, #tpu.memory_space<semaphore_mem>>) src(%dma_wait3A_138 : memref<10x3x128xf32, #tpu.memory_space<hbm>>) dst(%arg13 : memref<10x3x128xf32, #tpu.memory_space<vmem>>)
        %parallel_loop3A = arith.constant 0 : i32
        %parallel_loop3A_139 = arith.constant 80 : i32
        %parallel_loop3A_140 = arith.constant 1 : i32
        scf.for %parallel_loop3A_215 = %parallel_loop3A to %parallel_loop3A_139 step %parallel_loop3A_140  : i32 {
          %parallel_loop3A_216 = arith.constant 8 : i32
          %parallel_loop3A_217 = arith.divsi %parallel_loop3A_215, %parallel_loop3A_216 : i32
          %parallel_loop3A_218 = arith.constant 0 : i32
          %parallel_loop3A_219 = arith.cmpi sgt, %parallel_loop3A_215, %parallel_loop3A_218 : i32
          %parallel_loop3A_220 = arith.extui %parallel_loop3A_219 : i1 to i32
          %parallel_loop3A_221 = arith.constant 0 : i32
          %parallel_loop3A_222 = arith.cmpi slt, %parallel_loop3A_215, %parallel_loop3A_221 : i32
          %parallel_loop3A_223 = arith.extui %parallel_loop3A_222 : i1 to i32
          %parallel_loop3A_224 = arith.subi %parallel_loop3A_220, %parallel_loop3A_223 : i32
          %parallel_loop3A_225 = arith.constant 0 : i32
          %parallel_loop3A_226 = arith.cmpi sgt, %parallel_loop3A_216, %parallel_loop3A_225 : i32
          %parallel_loop3A_227 = arith.extui %parallel_loop3A_226 : i1 to i32
          %parallel_loop3A_228 = arith.constant 0 : i32
          %parallel_loop3A_229 = arith.cmpi slt, %parallel_loop3A_216, %parallel_loop3A_228 : i32
          %parallel_loop3A_230 = arith.extui %parallel_loop3A_229 : i1 to i32
          %parallel_loop3A_231 = arith.subi %parallel_loop3A_227, %parallel_loop3A_230 : i32
          %parallel_loop3A_232 = arith.cmpi ne, %parallel_loop3A_224, %parallel_loop3A_231 : i32
          %parallel_loop3A_233 = arith.remsi %parallel_loop3A_215, %parallel_loop3A_216 : i32
          %parallel_loop3A_234 = arith.constant 0 : i32
          %parallel_loop3A_235 = arith.cmpi ne, %parallel_loop3A_233, %parallel_loop3A_234 : i32
          %parallel_loop3A_236 = arith.andi %parallel_loop3A_232, %parallel_loop3A_235 : i1
          %parallel_loop3A_237 = arith.constant 1 : i32
          %parallel_loop3A_238 = arith.subi %parallel_loop3A_217, %parallel_loop3A_237 : i32
          %parallel_loop3A_239 = arith.select %parallel_loop3A_236, %parallel_loop3A_238, %parallel_loop3A_217 : i32
          %parallel_loop3A_240 = arith.constant 8 : i32
          %parallel_loop3A_241 = arith.constant 0 : i32
          %parallel_loop3A_242 = arith.cmpi eq, %parallel_loop3A_240, %parallel_loop3A_241 : i32
          %parallel_loop3A_243 = arith.constant 1 : i32
          %parallel_loop3A_244 = arith.select %parallel_loop3A_242, %parallel_loop3A_243, %parallel_loop3A_240 : i32
          %parallel_loop3A_245 = arith.remsi %parallel_loop3A_215, %parallel_loop3A_244 : i32
          %parallel_loop3A_246 = arith.constant 0 : i32
          %parallel_loop3A_247 = arith.cmpi ne, %parallel_loop3A_245, %parallel_loop3A_246 : i32
          %parallel_loop3A_248 = arith.constant 0 : i32
          %parallel_loop3A_249 = arith.cmpi slt, %parallel_loop3A_245, %parallel_loop3A_248 : i32
          %parallel_loop3A_250 = arith.constant 0 : i32
          %parallel_loop3A_251 = arith.cmpi slt, %parallel_loop3A_244, %parallel_loop3A_250 : i32
          %parallel_loop3A_252 = arith.xori %parallel_loop3A_249, %parallel_loop3A_251 : i1
          %parallel_loop3A_253 = arith.andi %parallel_loop3A_252, %parallel_loop3A_247 : i1
          %parallel_loop3A_254 = arith.addi %parallel_loop3A_245, %parallel_loop3A_244 : i32
          %parallel_loop3A_255 = arith.select %parallel_loop3A_253, %parallel_loop3A_254, %parallel_loop3A_245 : i32
          %parallel_loop3A_256 = arith.constant 16 : i32
          %parallel_loop3A_257 = arith.muli %parallel_loop3A_255, %parallel_loop3A_256 : i32
          %parallel_loop3A_258 = arith.constant 16 : i32
          %parallel_loop3A_259 = arith.muli %parallel_loop3A_215, %parallel_loop3A_258 : i32
          %parallel_loop3A_260 = vector.broadcast %parallel_loop3A_259 : i32 to vector<16xi32>
          %parallel_loop3A_261 = arith.addi %iota3A, %parallel_loop3A_260 : vector<16xi32>
          %parallel_loop3A_262 = arith.constant 0 : i32
          %parallel_loop3A_263 = vector.broadcast %parallel_loop3A_262 : i32 to vector<16xi32>
          %parallel_loop3A_264 = tpu.vector_load_idx %arg11[%parallel_loop3A_261, %parallel_loop3A_263] : memref<1280x16xf32, #tpu.memory_space<vmem>>[vector<16xi32>, vector<16xi32>], vector<16xf32>,
          %parallel_loop3A_265 = arith.constant 1 : i32
          %parallel_loop3A_266 = vector.broadcast %parallel_loop3A_265 : i32 to vector<16xi32>
          %parallel_loop3A_267 = tpu.vector_load_idx %arg11[%parallel_loop3A_261, %parallel_loop3A_266] : memref<1280x16xf32, #tpu.memory_space<vmem>>[vector<16xi32>, vector<16xi32>], vector<16xf32>,
          %parallel_loop3A_268 = arith.constant 2 : i32
          %parallel_loop3A_269 = vector.broadcast %parallel_loop3A_268 : i32 to vector<16xi32>
          %parallel_loop3A_270 = tpu.vector_load_idx %arg11[%parallel_loop3A_261, %parallel_loop3A_269] : memref<1280x16xf32, #tpu.memory_space<vmem>>[vector<16xi32>, vector<16xi32>], vector<16xf32>,
          %parallel_loop3A_271 = arith.constant 3 : i32
          %parallel_loop3A_272 = vector.broadcast %parallel_loop3A_271 : i32 to vector<16xi32>
          %parallel_loop3A_273 = tpu.vector_load_idx %arg11[%parallel_loop3A_261, %parallel_loop3A_272] : memref<1280x16xf32, #tpu.memory_space<vmem>>[vector<16xi32>, vector<16xi32>], vector<16xf32>,
          %parallel_loop3A_274 = arith.constant 4 : i32
          %parallel_loop3A_275 = vector.broadcast %parallel_loop3A_274 : i32 to vector<16xi32>
          %parallel_loop3A_276 = tpu.vector_load_idx %arg11[%parallel_loop3A_261, %parallel_loop3A_275] : memref<1280x16xf32, #tpu.memory_space<vmem>>[vector<16xi32>, vector<16xi32>], vector<16xf32>,
          %parallel_loop3A_277 = arith.constant 5 : i32
          %parallel_loop3A_278 = vector.broadcast %parallel_loop3A_277 : i32 to vector<16xi32>
          %parallel_loop3A_279 = tpu.vector_load_idx %arg11[%parallel_loop3A_261, %parallel_loop3A_278] : memref<1280x16xf32, #tpu.memory_space<vmem>>[vector<16xi32>, vector<16xi32>], vector<16xf32>,
          %parallel_loop3A_280 = arith.constant 6 : i32
          %parallel_loop3A_281 = vector.broadcast %parallel_loop3A_280 : i32 to vector<16xi32>
          %parallel_loop3A_282 = tpu.vector_load_idx %arg11[%parallel_loop3A_261, %parallel_loop3A_281] : memref<1280x16xf32, #tpu.memory_space<vmem>>[vector<16xi32>, vector<16xi32>], vector<16xf32>,
          %parallel_loop3A_283 = arith.constant 7 : i32
          %parallel_loop3A_284 = vector.broadcast %parallel_loop3A_283 : i32 to vector<16xi32>
          %parallel_loop3A_285 = tpu.vector_load_idx %arg11[%parallel_loop3A_261, %parallel_loop3A_284] : memref<1280x16xf32, #tpu.memory_space<vmem>>[vector<16xi32>, vector<16xi32>], vector<16xf32>,
          %parallel_loop3A_286 = arith.constant 8 : i32
          %parallel_loop3A_287 = vector.broadcast %parallel_loop3A_286 : i32 to vector<16xi32>
          %parallel_loop3A_288 = tpu.vector_load_idx %arg11[%parallel_loop3A_261, %parallel_loop3A_287] : memref<1280x16xf32, #tpu.memory_space<vmem>>[vector<16xi32>, vector<16xi32>], vector<16xf32>,
          %parallel_loop3A_289 = arith.constant 9 : i32
          %parallel_loop3A_290 = vector.broadcast %parallel_loop3A_289 : i32 to vector<16xi32>
          %parallel_loop3A_291 = tpu.vector_load_idx %arg11[%parallel_loop3A_261, %parallel_loop3A_290] : memref<1280x16xf32, #tpu.memory_space<vmem>>[vector<16xi32>, vector<16xi32>], vector<16xf32>,
          %parallel_loop3A_292 = arith.constant 10 : i32
          %parallel_loop3A_293 = vector.broadcast %parallel_loop3A_292 : i32 to vector<16xi32>
          %parallel_loop3A_294 = tpu.vector_load_idx %arg11[%parallel_loop3A_261, %parallel_loop3A_293] : memref<1280x16xf32, #tpu.memory_space<vmem>>[vector<16xi32>, vector<16xi32>], vector<16xf32>,
          %parallel_loop3A_295 = arith.constant 11 : i32
          %parallel_loop3A_296 = vector.broadcast %parallel_loop3A_295 : i32 to vector<16xi32>
          %parallel_loop3A_297 = tpu.vector_load_idx %arg11[%parallel_loop3A_261, %parallel_loop3A_296] : memref<1280x16xf32, #tpu.memory_space<vmem>>[vector<16xi32>, vector<16xi32>], vector<16xf32>,
          %parallel_loop3A_298 = arith.constant 12 : i32
          %parallel_loop3A_299 = vector.broadcast %parallel_loop3A_298 : i32 to vector<16xi32>
          %parallel_loop3A_300 = tpu.vector_load_idx %arg11[%parallel_loop3A_261, %parallel_loop3A_299] : memref<1280x16xf32, #tpu.memory_space<vmem>>[vector<16xi32>, vector<16xi32>], vector<16xf32>,
          %parallel_loop3A_301 = arith.constant 0 : i32
          %parallel_loop3A_302 = arith.index_cast %parallel_loop3A_239 : i32 to index
          %parallel_loop3A_303 = arith.index_cast %parallel_loop3A_301 : i32 to index
          %parallel_loop3A_304 = arith.index_cast %parallel_loop3A_257 : i32 to index
          %parallel_loop3A_305 = tpu.vector_load %arg12[%parallel_loop3A_302, %parallel_loop3A_303, %parallel_loop3A_304] {strides = array<i32>} : memref<10x3x128xf32, #tpu.memory_space<vmem>>, vector<16xf32>,
          %parallel_loop3A_306 = arith.constant 1 : i32
          %parallel_loop3A_307 = arith.index_cast %parallel_loop3A_239 : i32 to index
          %parallel_loop3A_308 = arith.index_cast %parallel_loop3A_306 : i32 to index
          %parallel_loop3A_309 = arith.index_cast %parallel_loop3A_257 : i32 to index
          %parallel_loop3A_310 = tpu.vector_load %arg12[%parallel_loop3A_307, %parallel_loop3A_308, %parallel_loop3A_309] {strides = array<i32>} : memref<10x3x128xf32, #tpu.memory_space<vmem>>, vector<16xf32>,
          %parallel_loop3A_311 = arith.constant 2 : i32
          %parallel_loop3A_312 = arith.index_cast %parallel_loop3A_239 : i32 to index
          %parallel_loop3A_313 = arith.index_cast %parallel_loop3A_311 : i32 to index
          %parallel_loop3A_314 = arith.index_cast %parallel_loop3A_257 : i32 to index
          %parallel_loop3A_315 = tpu.vector_load %arg12[%parallel_loop3A_312, %parallel_loop3A_313, %parallel_loop3A_314] {strides = array<i32>} : memref<10x3x128xf32, #tpu.memory_space<vmem>>, vector<16xf32>,
          %parallel_loop3A_316 = arith.constant 0 : i32
          %parallel_loop3A_317 = arith.index_cast %parallel_loop3A_239 : i32 to index
          %parallel_loop3A_318 = arith.index_cast %parallel_loop3A_316 : i32 to index
          %parallel_loop3A_319 = arith.index_cast %parallel_loop3A_257 : i32 to index
          %parallel_loop3A_320 = tpu.vector_load %arg13[%parallel_loop3A_317, %parallel_loop3A_318, %parallel_loop3A_319] {strides = array<i32>} : memref<10x3x128xf32, #tpu.memory_space<vmem>>, vector<16xf32>,
          %parallel_loop3A_321 = arith.constant 1 : i32
          %parallel_loop3A_322 = arith.index_cast %parallel_loop3A_239 : i32 to index
          %parallel_loop3A_323 = arith.index_cast %parallel_loop3A_321 : i32 to index
          %parallel_loop3A_324 = arith.index_cast %parallel_loop3A_257 : i32 to index
          %parallel_loop3A_325 = tpu.vector_load %arg13[%parallel_loop3A_322, %parallel_loop3A_323, %parallel_loop3A_324] {strides = array<i32>} : memref<10x3x128xf32, #tpu.memory_space<vmem>>, vector<16xf32>,
          %parallel_loop3A_326 = arith.constant 2 : i32
          %parallel_loop3A_327 = arith.index_cast %parallel_loop3A_239 : i32 to index
          %parallel_loop3A_328 = arith.index_cast %parallel_loop3A_326 : i32 to index
          %parallel_loop3A_329 = arith.index_cast %parallel_loop3A_257 : i32 to index
          %parallel_loop3A_330 = tpu.vector_load %arg13[%parallel_loop3A_327, %parallel_loop3A_328, %parallel_loop3A_329] {strides = array<i32>} : memref<10x3x128xf32, #tpu.memory_space<vmem>>, vector<16xf32>,
          %parallel_loop3A_331 = arith.mulf %parallel_loop3A_264, %parallel_loop3A_305 : vector<16xf32>
          %parallel_loop3A_332 = arith.mulf %parallel_loop3A_267, %parallel_loop3A_310 : vector<16xf32>
          %parallel_loop3A_333 = arith.addf %parallel_loop3A_331, %parallel_loop3A_332 : vector<16xf32>
          %parallel_loop3A_334 = arith.mulf %parallel_loop3A_270, %parallel_loop3A_315 : vector<16xf32>
          %parallel_loop3A_335 = arith.addf %parallel_loop3A_333, %parallel_loop3A_334 : vector<16xf32>
          %parallel_loop3A_336 = arith.addf %parallel_loop3A_335, %parallel_loop3A_291 : vector<16xf32>
          %parallel_loop3A_337 = arith.mulf %parallel_loop3A_273, %parallel_loop3A_305 : vector<16xf32>
          %parallel_loop3A_338 = arith.mulf %parallel_loop3A_276, %parallel_loop3A_310 : vector<16xf32>
          %parallel_loop3A_339 = arith.addf %parallel_loop3A_337, %parallel_loop3A_338 : vector<16xf32>
          %parallel_loop3A_340 = arith.mulf %parallel_loop3A_279, %parallel_loop3A_315 : vector<16xf32>
          %parallel_loop3A_341 = arith.addf %parallel_loop3A_339, %parallel_loop3A_340 : vector<16xf32>
          %parallel_loop3A_342 = arith.addf %parallel_loop3A_341, %parallel_loop3A_294 : vector<16xf32>
          %parallel_loop3A_343 = arith.mulf %parallel_loop3A_282, %parallel_loop3A_305 : vector<16xf32>
          %parallel_loop3A_344 = arith.mulf %parallel_loop3A_285, %parallel_loop3A_310 : vector<16xf32>
          %parallel_loop3A_345 = arith.addf %parallel_loop3A_343, %parallel_loop3A_344 : vector<16xf32>
          %parallel_loop3A_346 = arith.mulf %parallel_loop3A_288, %parallel_loop3A_315 : vector<16xf32>
          %parallel_loop3A_347 = arith.addf %parallel_loop3A_345, %parallel_loop3A_346 : vector<16xf32>
          %parallel_loop3A_348 = arith.addf %parallel_loop3A_347, %parallel_loop3A_297 : vector<16xf32>
          %parallel_loop3A_349 = arith.constant 1.000000e+00 : f32
          %parallel_loop3A_350 = vector.broadcast %parallel_loop3A_349 : f32 to vector<16xf32>
          %parallel_loop3A_351 = arith.subf %parallel_loop3A_350, %parallel_loop3A_300 : vector<16xf32>
          %parallel_loop3A_352 = arith.constant 0 : i32
          %parallel_loop3A_353 = arith.constant 0 : i32
          %parallel_loop3A_354 = arith.index_cast %parallel_loop3A_352 : i32 to index
          %parallel_loop3A_355 = arith.index_cast %parallel_loop3A_239 : i32 to index
          %parallel_loop3A_356 = arith.index_cast %parallel_loop3A_353 : i32 to index
          %parallel_loop3A_357 = arith.index_cast %parallel_loop3A_257 : i32 to index
          %parallel_loop3A_358 = tpu.vector_load %arg14[%parallel_loop3A_354, %parallel_loop3A_355, %parallel_loop3A_356, %parallel_loop3A_357] {strides = array<i32>} : memref<3x10x4x128xf32, #tpu.memory_space<vmem>>, vector<16xf32>,
          tpu.vector_store %arg14[%parallel_loop3A_354, %parallel_loop3A_355, %parallel_loop3A_356, %parallel_loop3A_357], %parallel_loop3A_264 {strides = array<i32>} : memref<3x10x4x128xf32, #tpu.memory_space<vmem>>, vector<16xf32>,
          %parallel_loop3A_359 = arith.constant 0 : i32
          %parallel_loop3A_360 = arith.constant 1 : i32
          %parallel_loop3A_361 = arith.index_cast %parallel_loop3A_359 : i32 to index
          %parallel_loop3A_362 = arith.index_cast %parallel_loop3A_239 : i32 to index
          %parallel_loop3A_363 = arith.index_cast %parallel_loop3A_360 : i32 to index
          %parallel_loop3A_364 = arith.index_cast %parallel_loop3A_257 : i32 to index
          %parallel_loop3A_365 = tpu.vector_load %arg14[%parallel_loop3A_361, %parallel_loop3A_362, %parallel_loop3A_363, %parallel_loop3A_364] {strides = array<i32>} : memref<3x10x4x128xf32, #tpu.memory_space<vmem>>, vector<16xf32>,
          tpu.vector_store %arg14[%parallel_loop3A_361, %parallel_loop3A_362, %parallel_loop3A_363, %parallel_loop3A_364], %parallel_loop3A_267 {strides = array<i32>} : memref<3x10x4x128xf32, #tpu.memory_space<vmem>>, vector<16xf32>,
          %parallel_loop3A_366 = arith.constant 0 : i32
          %parallel_loop3A_367 = arith.constant 2 : i32
          %parallel_loop3A_368 = arith.index_cast %parallel_loop3A_366 : i32 to index
          %parallel_loop3A_369 = arith.index_cast %parallel_loop3A_239 : i32 to index
          %parallel_loop3A_370 = arith.index_cast %parallel_loop3A_367 : i32 to index
          %parallel_loop3A_371 = arith.index_cast %parallel_loop3A_257 : i32 to index
          %parallel_loop3A_372 = tpu.vector_load %arg14[%parallel_loop3A_368, %parallel_loop3A_369, %parallel_loop3A_370, %parallel_loop3A_371] {strides = array<i32>} : memref<3x10x4x128xf32, #tpu.memory_space<vmem>>, vector<16xf32>,
          tpu.vector_store %arg14[%parallel_loop3A_368, %parallel_loop3A_369, %parallel_loop3A_370, %parallel_loop3A_371], %parallel_loop3A_270 {strides = array<i32>} : memref<3x10x4x128xf32, #tpu.memory_space<vmem>>, vector<16xf32>,
          %parallel_loop3A_373 = arith.constant 1 : i32
          %parallel_loop3A_374 = arith.constant 0 : i32
          %parallel_loop3A_375 = arith.index_cast %parallel_loop3A_373 : i32 to index
          %parallel_loop3A_376 = arith.index_cast %parallel_loop3A_239 : i32 to index
          %parallel_loop3A_377 = arith.index_cast %parallel_loop3A_374 : i32 to index
          %parallel_loop3A_378 = arith.index_cast %parallel_loop3A_257 : i32 to index
          %parallel_loop3A_379 = tpu.vector_load %arg14[%parallel_loop3A_375, %parallel_loop3A_376, %parallel_loop3A_377, %parallel_loop3A_378] {strides = array<i32>} : memref<3x10x4x128xf32, #tpu.memory_space<vmem>>, vector<16xf32>,
          tpu.vector_store %arg14[%parallel_loop3A_375, %parallel_loop3A_376, %parallel_loop3A_377, %parallel_loop3A_378], %parallel_loop3A_273 {strides = array<i32>} : memref<3x10x4x128xf32, #tpu.memory_space<vmem>>, vector<16xf32>,
          %parallel_loop3A_380 = arith.constant 1 : i32
          %parallel_loop3A_381 = arith.constant 1 : i32
          %parallel_loop3A_382 = arith.index_cast %parallel_loop3A_380 : i32 to index
          %parallel_loop3A_383 = arith.index_cast %parallel_loop3A_239 : i32 to index
          %parallel_loop3A_384 = arith.index_cast %parallel_loop3A_381 : i32 to index
          %parallel_loop3A_385 = arith.index_cast %parallel_loop3A_257 : i32 to index
          %parallel_loop3A_386 = tpu.vector_load %arg14[%parallel_loop3A_382, %parallel_loop3A_383, %parallel_loop3A_384, %parallel_loop3A_385] {strides = array<i32>} : memref<3x10x4x128xf32, #tpu.memory_space<vmem>>, vector<16xf32>,
          tpu.vector_store %arg14[%parallel_loop3A_382, %parallel_loop3A_383, %parallel_loop3A_384, %parallel_loop3A_385], %parallel_loop3A_276 {strides = array<i32>} : memref<3x10x4x128xf32, #tpu.memory_space<vmem>>, vector<16xf32>,
          %parallel_loop3A_387 = arith.constant 1 : i32
          %parallel_loop3A_388 = arith.constant 2 : i32
          %parallel_loop3A_389 = arith.index_cast %parallel_loop3A_387 : i32 to index
          %parallel_loop3A_390 = arith.index_cast %parallel_loop3A_239 : i32 to index
          %parallel_loop3A_391 = arith.index_cast %parallel_loop3A_388 : i32 to index
          %parallel_loop3A_392 = arith.index_cast %parallel_loop3A_257 : i32 to index
          %parallel_loop3A_393 = tpu.vector_load %arg14[%parallel_loop3A_389, %parallel_loop3A_390, %parallel_loop3A_391, %parallel_loop3A_392] {strides = array<i32>} : memref<3x10x4x128xf32, #tpu.memory_space<vmem>>, vector<16xf32>,
          tpu.vector_store %arg14[%parallel_loop3A_389, %parallel_loop3A_390, %parallel_loop3A_391, %parallel_loop3A_392], %parallel_loop3A_279 {strides = array<i32>} : memref<3x10x4x128xf32, #tpu.memory_space<vmem>>, vector<16xf32>,
          %parallel_loop3A_394 = arith.constant 2 : i32
          %parallel_loop3A_395 = arith.constant 0 : i32
          %parallel_loop3A_396 = arith.index_cast %parallel_loop3A_394 : i32 to index
          %parallel_loop3A_397 = arith.index_cast %parallel_loop3A_239 : i32 to index
          %parallel_loop3A_398 = arith.index_cast %parallel_loop3A_395 : i32 to index
          %parallel_loop3A_399 = arith.index_cast %parallel_loop3A_257 : i32 to index
          %parallel_loop3A_400 = tpu.vector_load %arg14[%parallel_loop3A_396, %parallel_loop3A_397, %parallel_loop3A_398, %parallel_loop3A_399] {strides = array<i32>} : memref<3x10x4x128xf32, #tpu.memory_space<vmem>>, vector<16xf32>,
          tpu.vector_store %arg14[%parallel_loop3A_396, %parallel_loop3A_397, %parallel_loop3A_398, %parallel_loop3A_399], %parallel_loop3A_282 {strides = array<i32>} : memref<3x10x4x128xf32, #tpu.memory_space<vmem>>, vector<16xf32>,
          %parallel_loop3A_401 = arith.constant 2 : i32
          %parallel_loop3A_402 = arith.constant 1 : i32
          %parallel_loop3A_403 = arith.index_cast %parallel_loop3A_401 : i32 to index
          %parallel_loop3A_404 = arith.index_cast %parallel_loop3A_239 : i32 to index
          %parallel_loop3A_405 = arith.index_cast %parallel_loop3A_402 : i32 to index
          %parallel_loop3A_406 = arith.index_cast %parallel_loop3A_257 : i32 to index
          %parallel_loop3A_407 = tpu.vector_load %arg14[%parallel_loop3A_403, %parallel_loop3A_404, %parallel_loop3A_405, %parallel_loop3A_406] {strides = array<i32>} : memref<3x10x4x128xf32, #tpu.memory_space<vmem>>, vector<16xf32>,
          tpu.vector_store %arg14[%parallel_loop3A_403, %parallel_loop3A_404, %parallel_loop3A_405, %parallel_loop3A_406], %parallel_loop3A_285 {strides = array<i32>} : memref<3x10x4x128xf32, #tpu.memory_space<vmem>>, vector<16xf32>,
          %parallel_loop3A_408 = arith.constant 2 : i32
          %parallel_loop3A_409 = arith.constant 2 : i32
          %parallel_loop3A_410 = arith.index_cast %parallel_loop3A_408 : i32 to index
          %parallel_loop3A_411 = arith.index_cast %parallel_loop3A_239 : i32 to index
          %parallel_loop3A_412 = arith.index_cast %parallel_loop3A_409 : i32 to index
          %parallel_loop3A_413 = arith.index_cast %parallel_loop3A_257 : i32 to index
          %parallel_loop3A_414 = tpu.vector_load %arg14[%parallel_loop3A_410, %parallel_loop3A_411, %parallel_loop3A_412, %parallel_loop3A_413] {strides = array<i32>} : memref<3x10x4x128xf32, #tpu.memory_space<vmem>>, vector<16xf32>,
          tpu.vector_store %arg14[%parallel_loop3A_410, %parallel_loop3A_411, %parallel_loop3A_412, %parallel_loop3A_413], %parallel_loop3A_288 {strides = array<i32>} : memref<3x10x4x128xf32, #tpu.memory_space<vmem>>, vector<16xf32>,
          %parallel_loop3A_415 = arith.constant 0 : i32
          %parallel_loop3A_416 = arith.index_cast %parallel_loop3A_239 : i32 to index
          %parallel_loop3A_417 = arith.index_cast %parallel_loop3A_415 : i32 to index
          %parallel_loop3A_418 = arith.index_cast %parallel_loop3A_257 : i32 to index
          %parallel_loop3A_419 = tpu.vector_load %arg15[%parallel_loop3A_416, %parallel_loop3A_417, %parallel_loop3A_418] {strides = array<i32>} : memref<10x4x128xf32, #tpu.memory_space<vmem>>, vector<16xf32>,
          tpu.vector_store %arg15[%parallel_loop3A_416, %parallel_loop3A_417, %parallel_loop3A_418], %parallel_loop3A_291 {strides = array<i32>} : memref<10x4x128xf32, #tpu.memory_space<vmem>>, vector<16xf32>,
          %parallel_loop3A_420 = arith.constant 1 : i32
          %parallel_loop3A_421 = arith.index_cast %parallel_loop3A_239 : i32 to index
          %parallel_loop3A_422 = arith.index_cast %parallel_loop3A_420 : i32 to index
          %parallel_loop3A_423 = arith.index_cast %parallel_loop3A_257 : i32 to index
          %parallel_loop3A_424 = tpu.vector_load %arg15[%parallel_loop3A_421, %parallel_loop3A_422, %parallel_loop3A_423] {strides = array<i32>} : memref<10x4x128xf32, #tpu.memory_space<vmem>>, vector<16xf32>,
          tpu.vector_store %arg15[%parallel_loop3A_421, %parallel_loop3A_422, %parallel_loop3A_423], %parallel_loop3A_294 {strides = array<i32>} : memref<10x4x128xf32, #tpu.memory_space<vmem>>, vector<16xf32>,
          %parallel_loop3A_425 = arith.constant 2 : i32
          %parallel_loop3A_426 = arith.index_cast %parallel_loop3A_239 : i32 to index
          %parallel_loop3A_427 = arith.index_cast %parallel_loop3A_425 : i32 to index
          %parallel_loop3A_428 = arith.index_cast %parallel_loop3A_257 : i32 to index
          %parallel_loop3A_429 = tpu.vector_load %arg15[%parallel_loop3A_426, %parallel_loop3A_427, %parallel_loop3A_428] {strides = array<i32>} : memref<10x4x128xf32, #tpu.memory_space<vmem>>, vector<16xf32>,
          tpu.vector_store %arg15[%parallel_loop3A_426, %parallel_loop3A_427, %parallel_loop3A_428], %parallel_loop3A_297 {strides = array<i32>} : memref<10x4x128xf32, #tpu.memory_space<vmem>>, vector<16xf32>,
          %parallel_loop3A_430 = arith.mulf %parallel_loop3A_320, %parallel_loop3A_300 : vector<16xf32>
          %parallel_loop3A_431 = arith.mulf %parallel_loop3A_336, %parallel_loop3A_351 : vector<16xf32>
          %parallel_loop3A_432 = arith.addf %parallel_loop3A_430, %parallel_loop3A_431 : vector<16xf32>
          %parallel_loop3A_433 = arith.constant 0 : i32
          %parallel_loop3A_434 = arith.index_cast %parallel_loop3A_239 : i32 to index
          %parallel_loop3A_435 = arith.index_cast %parallel_loop3A_433 : i32 to index
          %parallel_loop3A_436 = arith.index_cast %parallel_loop3A_257 : i32 to index
          %parallel_loop3A_437 = tpu.vector_load %arg16[%parallel_loop3A_434, %parallel_loop3A_435, %parallel_loop3A_436] {strides = array<i32>} : memref<10x4x128xf32, #tpu.memory_space<vmem>>, vector<16xf32>,
          tpu.vector_store %arg16[%parallel_loop3A_434, %parallel_loop3A_435, %parallel_loop3A_436], %parallel_loop3A_432 {strides = array<i32>} : memref<10x4x128xf32, #tpu.memory_space<vmem>>, vector<16xf32>,
          %parallel_loop3A_438 = arith.mulf %parallel_loop3A_325, %parallel_loop3A_300 : vector<16xf32>
          %parallel_loop3A_439 = arith.mulf %parallel_loop3A_342, %parallel_loop3A_351 : vector<16xf32>
          %parallel_loop3A_440 = arith.addf %parallel_loop3A_438, %parallel_loop3A_439 : vector<16xf32>
          %parallel_loop3A_441 = arith.constant 1 : i32
          %parallel_loop3A_442 = arith.index_cast %parallel_loop3A_239 : i32 to index
          %parallel_loop3A_443 = arith.index_cast %parallel_loop3A_441 : i32 to index
          %parallel_loop3A_444 = arith.index_cast %parallel_loop3A_257 : i32 to index
          %parallel_loop3A_445 = tpu.vector_load %arg16[%parallel_loop3A_442, %parallel_loop3A_443, %parallel_loop3A_444] {strides = array<i32>} : memref<10x4x128xf32, #tpu.memory_space<vmem>>, vector<16xf32>,
          tpu.vector_store %arg16[%parallel_loop3A_442, %parallel_loop3A_443, %parallel_loop3A_444], %parallel_loop3A_440 {strides = array<i32>} : memref<10x4x128xf32, #tpu.memory_space<vmem>>, vector<16xf32>,
          %parallel_loop3A_446 = arith.mulf %parallel_loop3A_330, %parallel_loop3A_300 : vector<16xf32>
          %parallel_loop3A_447 = arith.mulf %parallel_loop3A_348, %parallel_loop3A_351 : vector<16xf32>
          %parallel_loop3A_448 = arith.addf %parallel_loop3A_446, %parallel_loop3A_447 : vector<16xf32>
          %parallel_loop3A_449 = arith.constant 2 : i32
          %parallel_loop3A_450 = arith.index_cast %parallel_loop3A_239 : i32 to index
          %parallel_loop3A_451 = arith.index_cast %parallel_loop3A_449 : i32 to index
          %parallel_loop3A_452 = arith.index_cast %parallel_loop3A_257 : i32 to index
          %parallel_loop3A_453 = tpu.vector_load %arg16[%parallel_loop3A_450, %parallel_loop3A_451, %parallel_loop3A_452] {strides = array<i32>} : memref<10x4x128xf32, #tpu.memory_space<vmem>>, vector<16xf32>,
          tpu.vector_store %arg16[%parallel_loop3A_450, %parallel_loop3A_451, %parallel_loop3A_452], %parallel_loop3A_448 {strides = array<i32>} : memref<10x4x128xf32, #tpu.memory_space<vmem>>, vector<16xf32>,
        } {sc.loop_unroll_factor = 2 : i64, sc.parallel_access}
        %mul3A_141 = arith.constant 10 : i32
        %mul3A_142 = arith.muli %add3A_57, %mul3A_141 : i32
        %dma_start3A_143 = arith.constant 0 : i32
        %dma_start3A_144 = arith.constant 0 : i32
        %dma_start3A_145 = arith.constant 0 : i32
        %dma_start3A_146 = arith.constant 0 : i32
        %dma_start3A_147 = arith.constant 0 : i32
        %dma_start3A_148 = tpu.memref_slice %arg14[%dma_start3A_143, %dma_start3A_145, %dma_start3A_146, %dma_start3A_147] : memref<3x10x4x128xf32, #tpu.memory_space<vmem>> -> memref<1x10x4x128xf32, #tpu.memory_space<vmem>>
        %dma_start3A_149 = tpu.memref_squeeze %dma_start3A_148 : memref<1x10x4x128xf32, #tpu.memory_space<vmem>> -> memref<10x4x128xf32, #tpu.memory_space<vmem>>
        %dma_start3A_150 = arith.constant 0 : i32
        %dma_start3A_151 = arith.constant 0 : i32
        %dma_start3A_152 = tpu.memref_slice %arg6[%dma_start3A_144, %mul3A_142, %dma_start3A_150, %dma_start3A_151] : memref<3x12500x4x128xf32, #tpu.memory_space<hbm>> -> memref<1x10x4x128xf32, #tpu.memory_space<hbm>>
        %dma_start3A_153 = tpu.memref_squeeze %dma_start3A_152 : memref<1x10x4x128xf32, #tpu.memory_space<hbm>> -> memref<10x4x128xf32, #tpu.memory_space<hbm>>
        %dma_start3A_154 = arith.constant 0 : i32
        %dma_start3A_155 = arith.constant 0 : i32
        %dma_start3A_156 = tpu.memref_slice %arg6[%dma_start3A_144, %mul3A_142, %dma_start3A_154, %dma_start3A_155] : memref<3x12500x4x128xf32, #tpu.memory_space<hbm>> -> memref<1x10x4x128xf32, #tpu.memory_space<hbm>>
        %dma_start3A_157 = tpu.memref_squeeze %dma_start3A_156 : memref<1x10x4x128xf32, #tpu.memory_space<hbm>> -> memref<10x4x128xf32, #tpu.memory_space<hbm>>
        %dma_start3A_158 = arith.constant 0 : i32
        %dma_start3A_159 = arith.constant 0 : i32
        %dma_start3A_160 = arith.constant 0 : i32
        %dma_start3A_161 = tpu.memref_slice %arg14[%dma_start3A_143, %dma_start3A_158, %dma_start3A_159, %dma_start3A_160] : memref<3x10x4x128xf32, #tpu.memory_space<vmem>> -> memref<1x10x4x128xf32, #tpu.memory_space<vmem>>
        %dma_start3A_162 = tpu.memref_squeeze %dma_start3A_161 : memref<1x10x4x128xf32, #tpu.memory_space<vmem>> -> memref<10x4x128xf32, #tpu.memory_space<vmem>>
        tpu.enqueue_dma source(%dma_start3A_162 : memref<10x4x128xf32, #tpu.memory_space<vmem>>) target(%dma_start3A_157 : memref<10x4x128xf32, #tpu.memory_space<hbm>>) target_semaphore(%arg19 : memref<!tpu.dma_semaphore, #tpu.memory_space<semaphore_mem>>)
        %dma_start3A_163 = arith.constant 1 : i32
        %dma_start3A_164 = arith.constant 1 : i32
        %dma_start3A_165 = arith.constant 0 : i32
        %dma_start3A_166 = arith.constant 0 : i32
        %dma_start3A_167 = arith.constant 0 : i32
        %dma_start3A_168 = tpu.memref_slice %arg14[%dma_start3A_163, %dma_start3A_165, %dma_start3A_166, %dma_start3A_167] : memref<3x10x4x128xf32, #tpu.memory_space<vmem>> -> memref<1x10x4x128xf32, #tpu.memory_space<vmem>>
        %dma_start3A_169 = tpu.memref_squeeze %dma_start3A_168 : memref<1x10x4x128xf32, #tpu.memory_space<vmem>> -> memref<10x4x128xf32, #tpu.memory_space<vmem>>
        %dma_start3A_170 = arith.constant 0 : i32
        %dma_start3A_171 = arith.constant 0 : i32
        %dma_start3A_172 = tpu.memref_slice %arg6[%dma_start3A_164, %mul3A_142, %dma_start3A_170, %dma_start3A_171] : memref<3x12500x4x128xf32, #tpu.memory_space<hbm>> -> memref<1x10x4x128xf32, #tpu.memory_space<hbm>>
        %dma_start3A_173 = tpu.memref_squeeze %dma_start3A_172 : memref<1x10x4x128xf32, #tpu.memory_space<hbm>> -> memref<10x4x128xf32, #tpu.memory_space<hbm>>
        %dma_start3A_174 = arith.constant 0 : i32
        %dma_start3A_175 = arith.constant 0 : i32
        %dma_start3A_176 = tpu.memref_slice %arg6[%dma_start3A_164, %mul3A_142, %dma_start3A_174, %dma_start3A_175] : memref<3x12500x4x128xf32, #tpu.memory_space<hbm>> -> memref<1x10x4x128xf32, #tpu.memory_space<hbm>>
        %dma_start3A_177 = tpu.memref_squeeze %dma_start3A_176 : memref<1x10x4x128xf32, #tpu.memory_space<hbm>> -> memref<10x4x128xf32, #tpu.memory_space<hbm>>
        %dma_start3A_178 = arith.constant 0 : i32
        %dma_start3A_179 = arith.constant 0 : i32
        %dma_start3A_180 = arith.constant 0 : i32
        %dma_start3A_181 = tpu.memref_slice %arg14[%dma_start3A_163, %dma_start3A_178, %dma_start3A_179, %dma_start3A_180] : memref<3x10x4x128xf32, #tpu.memory_space<vmem>> -> memref<1x10x4x128xf32, #tpu.memory_space<vmem>>
        %dma_start3A_182 = tpu.memref_squeeze %dma_start3A_181 : memref<1x10x4x128xf32, #tpu.memory_space<vmem>> -> memref<10x4x128xf32, #tpu.memory_space<vmem>>
        tpu.enqueue_dma source(%dma_start3A_182 : memref<10x4x128xf32, #tpu.memory_space<vmem>>) target(%dma_start3A_177 : memref<10x4x128xf32, #tpu.memory_space<hbm>>) target_semaphore(%arg19 : memref<!tpu.dma_semaphore, #tpu.memory_space<semaphore_mem>>)
        %dma_start3A_183 = arith.constant 2 : i32
        %dma_start3A_184 = arith.constant 2 : i32
        %dma_start3A_185 = arith.constant 0 : i32
        %dma_start3A_186 = arith.constant 0 : i32
        %dma_start3A_187 = arith.constant 0 : i32
        %dma_start3A_188 = tpu.memref_slice %arg14[%dma_start3A_183, %dma_start3A_185, %dma_start3A_186, %dma_start3A_187] : memref<3x10x4x128xf32, #tpu.memory_space<vmem>> -> memref<1x10x4x128xf32, #tpu.memory_space<vmem>>
        %dma_start3A_189 = tpu.memref_squeeze %dma_start3A_188 : memref<1x10x4x128xf32, #tpu.memory_space<vmem>> -> memref<10x4x128xf32, #tpu.memory_space<vmem>>
        %dma_start3A_190 = arith.constant 0 : i32
        %dma_start3A_191 = arith.constant 0 : i32
        %dma_start3A_192 = tpu.memref_slice %arg6[%dma_start3A_184, %mul3A_142, %dma_start3A_190, %dma_start3A_191] : memref<3x12500x4x128xf32, #tpu.memory_space<hbm>> -> memref<1x10x4x128xf32, #tpu.memory_space<hbm>>
        %dma_start3A_193 = tpu.memref_squeeze %dma_start3A_192 : memref<1x10x4x128xf32, #tpu.memory_space<hbm>> -> memref<10x4x128xf32, #tpu.memory_space<hbm>>
        %dma_start3A_194 = arith.constant 0 : i32
        %dma_start3A_195 = arith.constant 0 : i32
        %dma_start3A_196 = tpu.memref_slice %arg6[%dma_start3A_184, %mul3A_142, %dma_start3A_194, %dma_start3A_195] : memref<3x12500x4x128xf32, #tpu.memory_space<hbm>> -> memref<1x10x4x128xf32, #tpu.memory_space<hbm>>
        %dma_start3A_197 = tpu.memref_squeeze %dma_start3A_196 : memref<1x10x4x128xf32, #tpu.memory_space<hbm>> -> memref<10x4x128xf32, #tpu.memory_space<hbm>>
        %dma_start3A_198 = arith.constant 0 : i32
        %dma_start3A_199 = arith.constant 0 : i32
        %dma_start3A_200 = arith.constant 0 : i32
        %dma_start3A_201 = tpu.memref_slice %arg14[%dma_start3A_183, %dma_start3A_198, %dma_start3A_199, %dma_start3A_200] : memref<3x10x4x128xf32, #tpu.memory_space<vmem>> -> memref<1x10x4x128xf32, #tpu.memory_space<vmem>>
        %dma_start3A_202 = tpu.memref_squeeze %dma_start3A_201 : memref<1x10x4x128xf32, #tpu.memory_space<vmem>> -> memref<10x4x128xf32, #tpu.memory_space<vmem>>
        tpu.enqueue_dma source(%dma_start3A_202 : memref<10x4x128xf32, #tpu.memory_space<vmem>>) target(%dma_start3A_197 : memref<10x4x128xf32, #tpu.memory_space<hbm>>) target_semaphore(%arg19 : memref<!tpu.dma_semaphore, #tpu.memory_space<semaphore_mem>>)
        %dma_start3A_203 = arith.constant 0 : i32
        %dma_start3A_204 = arith.constant 0 : i32
        %dma_start3A_205 = tpu.memref_slice %arg7[%mul3A_142, %dma_start3A_203, %dma_start3A_204] : memref<12500x4x128xf32, #tpu.memory_space<hbm>> -> memref<10x4x128xf32, #tpu.memory_space<hbm>>
        %dma_start3A_206 = arith.constant 0 : i32
        %dma_start3A_207 = arith.constant 0 : i32
        %dma_start3A_208 = tpu.memref_slice %arg7[%mul3A_142, %dma_start3A_206, %dma_start3A_207] : memref<12500x4x128xf32, #tpu.memory_space<hbm>> -> memref<10x4x128xf32, #tpu.memory_space<hbm>>
        tpu.enqueue_dma source(%arg15 : memref<10x4x128xf32, #tpu.memory_space<vmem>>) target(%dma_start3A_208 : memref<10x4x128xf32, #tpu.memory_space<hbm>>) target_semaphore(%arg19 : memref<!tpu.dma_semaphore, #tpu.memory_space<semaphore_mem>>)
        %dma_start3A_209 = arith.constant 0 : i32
        %dma_start3A_210 = arith.constant 0 : i32
        %dma_start3A_211 = tpu.memref_slice %arg8[%mul3A_142, %dma_start3A_209, %dma_start3A_210] : memref<12500x4x128xf32, #tpu.memory_space<hbm>> -> memref<10x4x128xf32, #tpu.memory_space<hbm>>
        %dma_start3A_212 = arith.constant 0 : i32
        %dma_start3A_213 = arith.constant 0 : i32
        %dma_start3A_214 = tpu.memref_slice %arg8[%mul3A_142, %dma_start3A_212, %dma_start3A_213] : memref<12500x4x128xf32, #tpu.memory_space<hbm>> -> memref<10x4x128xf32, #tpu.memory_space<hbm>>
        tpu.enqueue_dma source(%arg16 : memref<10x4x128xf32, #tpu.memory_space<vmem>>) target(%dma_start3A_214 : memref<10x4x128xf32, #tpu.memory_space<hbm>>) target_semaphore(%arg19 : memref<!tpu.dma_semaphore, #tpu.memory_space<semaphore_mem>>)
      } else {
      }
      %lt3A_80 = arith.constant 1250 : i32
      %lt3A_81 = arith.cmpi slt, %add3A_59, %lt3A_80 : i32
      %convert_element_type3A_82 = arith.extui %lt3A_81 : i1 to i32
      %cond3A_83 = arith.constant 0 : i32
      %cond3A_84 = arith.cmpi ne, %convert_element_type3A_82, %cond3A_83 : i32
      scf.if %cond3A_84 {
        %mul3A_122 = arith.constant 10 : i32
        %mul3A_123 = arith.muli %add3A_59, %mul3A_122 : i32
        %dma_wait3A_124 = arith.constant 1 : i32
        %dma_wait3A_125 = arith.constant 0 : i32
        %dma_wait3A_126 = tpu.memref_slice %arg3[%mul3A_123, %dma_wait3A_124, %dma_wait3A_125] : memref<12500x2x128xi32, #tpu.memory_space<hbm>> -> memref<10x1x128xi32, #tpu.memory_space<hbm>>
        %dma_wait3A_127 = tpu.memref_squeeze %dma_wait3A_126 : memref<10x1x128xi32, #tpu.memory_space<hbm>> -> memref<10x128xi32, #tpu.memory_space<hbm>>
        %dma_wait3A_128 = arith.constant 0 : i32
        %dma_wait3A_129 = tpu.memref_slice %arg3[%mul3A_123, %dma_wait3A_124, %dma_wait3A_128] : memref<12500x2x128xi32, #tpu.memory_space<hbm>> -> memref<10x1x128xi32, #tpu.memory_space<hbm>>
        %dma_wait3A_130 = tpu.memref_squeeze %dma_wait3A_129 : memref<10x1x128xi32, #tpu.memory_space<hbm>> -> memref<10x128xi32, #tpu.memory_space<hbm>>
        tpu.wait_dma2 semaphore(%arg28 : memref<!tpu.dma_semaphore, #tpu.memory_space<semaphore_mem>>) src(%dma_wait3A_130 : memref<10x128xi32, #tpu.memory_space<hbm>>) dst(%arg20 : memref<10x128xi32, #tpu.memory_space<vmem>>)
        %scan3A_131 = arith.constant 0 : i32
        %scan3A_132 = arith.constant 80 : i32
        %scan3A_133 = arith.addi %scan3A_131, %scan3A_132 : i32
        %scan3A_134 = arith.constant 1 : i32
        scf.for %scan3A_139 = %scan3A_131 to %scan3A_133 step %scan3A_134  : i32 {
          %jit3A = arith.constant 8 : i32
          %div3A = arith.divsi %scan3A_139, %jit3A : i32
          %sign3A = arith.constant 0 : i32
          %sign3A_140 = arith.cmpi sgt, %scan3A_139, %sign3A : i32
          %sign3A_141 = arith.extui %sign3A_140 : i1 to i32
          %sign3A_142 = arith.constant 0 : i32
          %sign3A_143 = arith.cmpi slt, %scan3A_139, %sign3A_142 : i32
          %sign3A_144 = arith.extui %sign3A_143 : i1 to i32
          %sign3A_145 = arith.subi %sign3A_141, %sign3A_144 : i32
          %sign3A_146 = arith.constant 0 : i32
          %sign3A_147 = arith.cmpi sgt, %jit3A, %sign3A_146 : i32
          %sign3A_148 = arith.extui %sign3A_147 : i1 to i32
          %sign3A_149 = arith.constant 0 : i32
          %sign3A_150 = arith.cmpi slt, %jit3A, %sign3A_149 : i32
          %sign3A_151 = arith.extui %sign3A_150 : i1 to i32
          %sign3A_152 = arith.subi %sign3A_148, %sign3A_151 : i32
          %ne3A = arith.cmpi ne, %sign3A_145, %sign3A_152 : i32
          %rem3A = arith.remsi %scan3A_139, %jit3A : i32
          %ne3A_153 = arith.constant 0 : i32
          %ne3A_154 = arith.cmpi ne, %rem3A, %ne3A_153 : i32
          %and3A_155 = arith.andi %ne3A, %ne3A_154 : i1
          %sub3A_156 = arith.constant 1 : i32
          %sub3A_157 = arith.subi %div3A, %sub3A_156 : i32
          %select_n3A = arith.select %and3A_155, %sub3A_157, %div3A : i32
          %jit3A_158 = arith.constant 8 : i32
          %eq3A = arith.constant 0 : i32
          %eq3A_159 = arith.cmpi eq, %jit3A_158, %eq3A : i32
          %jit3A_160 = arith.constant 1 : i32
          %select_n3A_161 = arith.select %eq3A_159, %jit3A_160, %jit3A_158 : i32
          %rem3A_162 = arith.remsi %scan3A_139, %select_n3A_161 : i32
          %ne3A_163 = arith.constant 0 : i32
          %ne3A_164 = arith.cmpi ne, %rem3A_162, %ne3A_163 : i32
          %lt3A_165 = arith.constant 0 : i32
          %lt3A_166 = arith.cmpi slt, %rem3A_162, %lt3A_165 : i32
          %lt3A_167 = arith.constant 0 : i32
          %lt3A_168 = arith.cmpi slt, %select_n3A_161, %lt3A_167 : i32
          %ne3A_169 = arith.xori %lt3A_166, %lt3A_168 : i1
          %and3A_170 = arith.andi %ne3A_169, %ne3A_164 : i1
          %add3A_171 = arith.addi %rem3A_162, %select_n3A_161 : i32
          %select_n3A_172 = arith.select %and3A_170, %add3A_171, %rem3A_162 : i32
          %mul3A_173 = arith.constant 16 : i32
          %mul3A_174 = arith.muli %select_n3A_172, %mul3A_173 : i32
          %get3A = arith.index_cast %select_n3A : i32 to index
          %get3A_175 = arith.index_cast %mul3A_174 : i32 to index
          %get3A_176 = tpu.vector_load %arg20[%get3A, %get3A_175] {strides = array<i32>} : memref<10x128xi32, #tpu.memory_space<vmem>>, vector<16xi32>,
          %mul3A_177 = arith.constant 16 : i32
          %mul3A_178 = arith.muli %scan3A_139, %mul3A_177 : i32
          %swap3A = arith.index_cast %mul3A_178 : i32 to index
          %swap3A_179 = tpu.vector_load %arg21[%swap3A] {strides = array<i32>} : memref<1280xi32, #tpu.memory_space<vmem>>, vector<16xi32>,
          tpu.vector_store %arg21[%swap3A], %get3A_176 {strides = array<i32>} : memref<1280xi32, #tpu.memory_space<vmem>>, vector<16xi32>,
        }
        %scan3A_135 = arith.constant 80 : i32
        %dma_start3A_136 = arith.constant 0 : i32
        %dma_start3A_137 = arith.constant 0 : i32
        %dma_start3A_138 = tpu.memref_slice %arg2[%dma_start3A_136, %dma_start3A_137] : memref<50000x16xf32, #tpu.memory_space<hbm>> -> memref<50000x16xf32, #tpu.memory_space<hbm>>
        tpu.enqueue_indirect_dma source(%dma_start3A_138 : memref<50000x16xf32, #tpu.memory_space<hbm>>) target(%arg22 : memref<1280x16xf32, #tpu.memory_space<vmem>>) offsets(%arg21 : memref<1280xi32, #tpu.memory_space<vmem>>) semaphore(%arg29 : memref<!tpu.dma_semaphore, #tpu.memory_space<semaphore_mem>>)
      } else {
      }
      %mul3A_85 = arith.constant 2 : i32
      %mul3A_86 = arith.muli %mul3A_85, %scan3A_52 : i32
      %add3A_87 = arith.constant 1 : i32
      %add3A_88 = arith.addi %mul3A_86, %add3A_87 : i32
      %mul3A_89 = arith.constant 32 : i32
      %mul3A_90 = arith.muli %add3A_88, %mul3A_89 : i32
      %add3A_91 = arith.addi %mul3A_90, %add3A : i32
      %add3A_92 = arith.constant 32 : i32
      %add3A_93 = arith.addi %add3A_91, %add3A_92 : i32
      %sub3A_94 = arith.constant 64 : i32
      %sub3A_95 = arith.subi %add3A_91, %sub3A_94 : i32
      %lt3A_96 = arith.constant 1250 : i32
      %lt3A_97 = arith.cmpi slt, %add3A_93, %lt3A_96 : i32
      %convert_element_type3A_98 = arith.extui %lt3A_97 : i1 to i32
      %cond3A_99 = arith.constant 0 : i32
      %cond3A_100 = arith.cmpi ne, %convert_element_type3A_98, %cond3A_99 : i32
      scf.if %cond3A_100 {
        %mul3A_122 = arith.constant 10 : i32
        %mul3A_123 = arith.muli %add3A_93, %mul3A_122 : i32
        %dma_start3A_124 = arith.constant 1 : i32
        %dma_start3A_125 = arith.constant 0 : i32
        %dma_start3A_126 = tpu.memref_slice %arg3[%mul3A_123, %dma_start3A_124, %dma_start3A_125] : memref<12500x2x128xi32, #tpu.memory_space<hbm>> -> memref<10x1x128xi32, #tpu.memory_space<hbm>>
        %dma_start3A_127 = tpu.memref_squeeze %dma_start3A_126 : memref<10x1x128xi32, #tpu.memory_space<hbm>> -> memref<10x128xi32, #tpu.memory_space<hbm>>
        %dma_start3A_128 = arith.constant 0 : i32
        %dma_start3A_129 = tpu.memref_slice %arg3[%mul3A_123, %dma_start3A_124, %dma_start3A_128] : memref<12500x2x128xi32, #tpu.memory_space<hbm>> -> memref<10x1x128xi32, #tpu.memory_space<hbm>>
        %dma_start3A_130 = tpu.memref_squeeze %dma_start3A_129 : memref<10x1x128xi32, #tpu.memory_space<hbm>> -> memref<10x128xi32, #tpu.memory_space<hbm>>
        tpu.enqueue_dma source(%dma_start3A_130 : memref<10x128xi32, #tpu.memory_space<hbm>>) target(%arg9 : memref<10x128xi32, #tpu.memory_space<vmem>>) target_semaphore(%arg17 : memref<!tpu.dma_semaphore, #tpu.memory_space<semaphore_mem>>)
        %dma_start3A_131 = arith.constant 0 : i32
        %dma_start3A_132 = arith.constant 0 : i32
        %dma_start3A_133 = tpu.memref_slice %arg4[%mul3A_123, %dma_start3A_131, %dma_start3A_132] : memref<12500x3x128xf32, #tpu.memory_space<hbm>> -> memref<10x3x128xf32, #tpu.memory_space<hbm>>
        %dma_start3A_134 = arith.constant 0 : i32
        %dma_start3A_135 = arith.constant 0 : i32
        %dma_start3A_136 = tpu.memref_slice %arg4[%mul3A_123, %dma_start3A_134, %dma_start3A_135] : memref<12500x3x128xf32, #tpu.memory_space<hbm>> -> memref<10x3x128xf32, #tpu.memory_space<hbm>>
        tpu.enqueue_dma source(%dma_start3A_136 : memref<10x3x128xf32, #tpu.memory_space<hbm>>) target(%arg12 : memref<10x3x128xf32, #tpu.memory_space<vmem>>) target_semaphore(%arg17 : memref<!tpu.dma_semaphore, #tpu.memory_space<semaphore_mem>>)
        %dma_start3A_137 = arith.constant 0 : i32
        %dma_start3A_138 = arith.constant 0 : i32
        %dma_start3A_139 = tpu.memref_slice %arg5[%mul3A_123, %dma_start3A_137, %dma_start3A_138] : memref<12500x3x128xf32, #tpu.memory_space<hbm>> -> memref<10x3x128xf32, #tpu.memory_space<hbm>>
        %dma_start3A_140 = arith.constant 0 : i32
        %dma_start3A_141 = arith.constant 0 : i32
        %dma_start3A_142 = tpu.memref_slice %arg5[%mul3A_123, %dma_start3A_140, %dma_start3A_141] : memref<12500x3x128xf32, #tpu.memory_space<hbm>> -> memref<10x3x128xf32, #tpu.memory_space<hbm>>
        tpu.enqueue_dma source(%dma_start3A_142 : memref<10x3x128xf32, #tpu.memory_space<hbm>>) target(%arg13 : memref<10x3x128xf32, #tpu.memory_space<vmem>>) target_semaphore(%arg17 : memref<!tpu.dma_semaphore, #tpu.memory_space<semaphore_mem>>)
      } else {
      }
      %ge3A_101 = arith.constant 2 : i32
      %ge3A_102 = arith.cmpi sge, %add3A_88, %ge3A_101 : i32
      %ge3A_103 = arith.constant 0 : i32
      %ge3A_104 = arith.cmpi sge, %sub3A_95, %ge3A_103 : i32
      %and3A_105 = arith.andi %ge3A_102, %ge3A_104 : i1
      %lt3A_106 = arith.constant 1250 : i32
      %lt3A_107 = arith.cmpi slt, %sub3A_95, %lt3A_106 : i32
      %and3A_108 = arith.andi %and3A_105, %lt3A_107 : i1
      %convert_element_type3A_109 = arith.extui %and3A_108 : i1 to i32
      %cond3A_110 = arith.constant 0 : i32
      %cond3A_111 = arith.cmpi ne, %convert_element_type3A_109, %cond3A_110 : i32
      scf.if %cond3A_111 {
        %mul3A_122 = arith.constant 10 : i32
        %mul3A_123 = arith.muli %sub3A_95, %mul3A_122 : i32
        %dma_wait3A_124 = arith.constant 0 : i32
        %dma_wait3A_125 = arith.constant 0 : i32
        %dma_wait3A_126 = arith.constant 0 : i32
        %dma_wait3A_127 = arith.constant 0 : i32
        %dma_wait3A_128 = arith.constant 0 : i32
        %dma_wait3A_129 = tpu.memref_slice %arg25[%dma_wait3A_124, %dma_wait3A_126, %dma_wait3A_127, %dma_wait3A_128] : memref<3x10x4x128xf32, #tpu.memory_space<vmem>> -> memref<1x10x4x128xf32, #tpu.memory_space<vmem>>
        %dma_wait3A_130 = tpu.memref_squeeze %dma_wait3A_129 : memref<1x10x4x128xf32, #tpu.memory_space<vmem>> -> memref<10x4x128xf32, #tpu.memory_space<vmem>>
        %dma_wait3A_131 = arith.constant 0 : i32
        %dma_wait3A_132 = arith.constant 0 : i32
        %dma_wait3A_133 = tpu.memref_slice %arg6[%dma_wait3A_125, %mul3A_123, %dma_wait3A_131, %dma_wait3A_132] : memref<3x12500x4x128xf32, #tpu.memory_space<hbm>> -> memref<1x10x4x128xf32, #tpu.memory_space<hbm>>
        %dma_wait3A_134 = tpu.memref_squeeze %dma_wait3A_133 : memref<1x10x4x128xf32, #tpu.memory_space<hbm>> -> memref<10x4x128xf32, #tpu.memory_space<hbm>>
        %dma_wait3A_135 = arith.constant 0 : i32
        %dma_wait3A_136 = arith.constant 0 : i32
        %dma_wait3A_137 = tpu.memref_slice %arg6[%dma_wait3A_125, %mul3A_123, %dma_wait3A_135, %dma_wait3A_136] : memref<3x12500x4x128xf32, #tpu.memory_space<hbm>> -> memref<1x10x4x128xf32, #tpu.memory_space<hbm>>
        %dma_wait3A_138 = tpu.memref_squeeze %dma_wait3A_137 : memref<1x10x4x128xf32, #tpu.memory_space<hbm>> -> memref<10x4x128xf32, #tpu.memory_space<hbm>>
        %dma_wait3A_139 = arith.constant 0 : i32
        %dma_wait3A_140 = arith.constant 0 : i32
        %dma_wait3A_141 = arith.constant 0 : i32
        %dma_wait3A_142 = tpu.memref_slice %arg25[%dma_wait3A_124, %dma_wait3A_139, %dma_wait3A_140, %dma_wait3A_141] : memref<3x10x4x128xf32, #tpu.memory_space<vmem>> -> memref<1x10x4x128xf32, #tpu.memory_space<vmem>>
        %dma_wait3A_143 = tpu.memref_squeeze %dma_wait3A_142 : memref<1x10x4x128xf32, #tpu.memory_space<vmem>> -> memref<10x4x128xf32, #tpu.memory_space<vmem>>
        tpu.wait_dma2 semaphore(%arg30 : memref<!tpu.dma_semaphore, #tpu.memory_space<semaphore_mem>>) src(%dma_wait3A_143 : memref<10x4x128xf32, #tpu.memory_space<vmem>>) dst(%dma_wait3A_138 : memref<10x4x128xf32, #tpu.memory_space<hbm>>)
        %dma_wait3A_144 = arith.constant 1 : i32
        %dma_wait3A_145 = arith.constant 1 : i32
        %dma_wait3A_146 = arith.constant 0 : i32
        %dma_wait3A_147 = arith.constant 0 : i32
        %dma_wait3A_148 = arith.constant 0 : i32
        %dma_wait3A_149 = tpu.memref_slice %arg25[%dma_wait3A_144, %dma_wait3A_146, %dma_wait3A_147, %dma_wait3A_148] : memref<3x10x4x128xf32, #tpu.memory_space<vmem>> -> memref<1x10x4x128xf32, #tpu.memory_space<vmem>>
        %dma_wait3A_150 = tpu.memref_squeeze %dma_wait3A_149 : memref<1x10x4x128xf32, #tpu.memory_space<vmem>> -> memref<10x4x128xf32, #tpu.memory_space<vmem>>
        %dma_wait3A_151 = arith.constant 0 : i32
        %dma_wait3A_152 = arith.constant 0 : i32
        %dma_wait3A_153 = tpu.memref_slice %arg6[%dma_wait3A_145, %mul3A_123, %dma_wait3A_151, %dma_wait3A_152] : memref<3x12500x4x128xf32, #tpu.memory_space<hbm>> -> memref<1x10x4x128xf32, #tpu.memory_space<hbm>>
        %dma_wait3A_154 = tpu.memref_squeeze %dma_wait3A_153 : memref<1x10x4x128xf32, #tpu.memory_space<hbm>> -> memref<10x4x128xf32, #tpu.memory_space<hbm>>
        %dma_wait3A_155 = arith.constant 0 : i32
        %dma_wait3A_156 = arith.constant 0 : i32
        %dma_wait3A_157 = tpu.memref_slice %arg6[%dma_wait3A_145, %mul3A_123, %dma_wait3A_155, %dma_wait3A_156] : memref<3x12500x4x128xf32, #tpu.memory_space<hbm>> -> memref<1x10x4x128xf32, #tpu.memory_space<hbm>>
        %dma_wait3A_158 = tpu.memref_squeeze %dma_wait3A_157 : memref<1x10x4x128xf32, #tpu.memory_space<hbm>> -> memref<10x4x128xf32, #tpu.memory_space<hbm>>
        %dma_wait3A_159 = arith.constant 0 : i32
        %dma_wait3A_160 = arith.constant 0 : i32
        %dma_wait3A_161 = arith.constant 0 : i32
        %dma_wait3A_162 = tpu.memref_slice %arg25[%dma_wait3A_144, %dma_wait3A_159, %dma_wait3A_160, %dma_wait3A_161] : memref<3x10x4x128xf32, #tpu.memory_space<vmem>> -> memref<1x10x4x128xf32, #tpu.memory_space<vmem>>
        %dma_wait3A_163 = tpu.memref_squeeze %dma_wait3A_162 : memref<1x10x4x128xf32, #tpu.memory_space<vmem>> -> memref<10x4x128xf32, #tpu.memory_space<vmem>>
        tpu.wait_dma2 semaphore(%arg30 : memref<!tpu.dma_semaphore, #tpu.memory_space<semaphore_mem>>) src(%dma_wait3A_163 : memref<10x4x128xf32, #tpu.memory_space<vmem>>) dst(%dma_wait3A_158 : memref<10x4x128xf32, #tpu.memory_space<hbm>>)
        %dma_wait3A_164 = arith.constant 2 : i32
        %dma_wait3A_165 = arith.constant 2 : i32
        %dma_wait3A_166 = arith.constant 0 : i32
        %dma_wait3A_167 = arith.constant 0 : i32
        %dma_wait3A_168 = arith.constant 0 : i32
        %dma_wait3A_169 = tpu.memref_slice %arg25[%dma_wait3A_164, %dma_wait3A_166, %dma_wait3A_167, %dma_wait3A_168] : memref<3x10x4x128xf32, #tpu.memory_space<vmem>> -> memref<1x10x4x128xf32, #tpu.memory_space<vmem>>
        %dma_wait3A_170 = tpu.memref_squeeze %dma_wait3A_169 : memref<1x10x4x128xf32, #tpu.memory_space<vmem>> -> memref<10x4x128xf32, #tpu.memory_space<vmem>>
        %dma_wait3A_171 = arith.constant 0 : i32
        %dma_wait3A_172 = arith.constant 0 : i32
        %dma_wait3A_173 = tpu.memref_slice %arg6[%dma_wait3A_165, %mul3A_123, %dma_wait3A_171, %dma_wait3A_172] : memref<3x12500x4x128xf32, #tpu.memory_space<hbm>> -> memref<1x10x4x128xf32, #tpu.memory_space<hbm>>
        %dma_wait3A_174 = tpu.memref_squeeze %dma_wait3A_173 : memref<1x10x4x128xf32, #tpu.memory_space<hbm>> -> memref<10x4x128xf32, #tpu.memory_space<hbm>>
        %dma_wait3A_175 = arith.constant 0 : i32
        %dma_wait3A_176 = arith.constant 0 : i32
        %dma_wait3A_177 = tpu.memref_slice %arg6[%dma_wait3A_165, %mul3A_123, %dma_wait3A_175, %dma_wait3A_176] : memref<3x12500x4x128xf32, #tpu.memory_space<hbm>> -> memref<1x10x4x128xf32, #tpu.memory_space<hbm>>
        %dma_wait3A_178 = tpu.memref_squeeze %dma_wait3A_177 : memref<1x10x4x128xf32, #tpu.memory_space<hbm>> -> memref<10x4x128xf32, #tpu.memory_space<hbm>>
        %dma_wait3A_179 = arith.constant 0 : i32
        %dma_wait3A_180 = arith.constant 0 : i32
        %dma_wait3A_181 = arith.constant 0 : i32
        %dma_wait3A_182 = tpu.memref_slice %arg25[%dma_wait3A_164, %dma_wait3A_179, %dma_wait3A_180, %dma_wait3A_181] : memref<3x10x4x128xf32, #tpu.memory_space<vmem>> -> memref<1x10x4x128xf32, #tpu.memory_space<vmem>>
        %dma_wait3A_183 = tpu.memref_squeeze %dma_wait3A_182 : memref<1x10x4x128xf32, #tpu.memory_space<vmem>> -> memref<10x4x128xf32, #tpu.memory_space<vmem>>
        tpu.wait_dma2 semaphore(%arg30 : memref<!tpu.dma_semaphore, #tpu.memory_space<semaphore_mem>>) src(%dma_wait3A_183 : memref<10x4x128xf32, #tpu.memory_space<vmem>>) dst(%dma_wait3A_178 : memref<10x4x128xf32, #tpu.memory_space<hbm>>)
        %dma_wait3A_184 = arith.constant 0 : i32
        %dma_wait3A_185 = arith.constant 0 : i32
        %dma_wait3A_186 = tpu.memref_slice %arg7[%mul3A_123, %dma_wait3A_184, %dma_wait3A_185] : memref<12500x4x128xf32, #tpu.memory_space<hbm>> -> memref<10x4x128xf32, #tpu.memory_space<hbm>>
        %dma_wait3A_187 = arith.constant 0 : i32
        %dma_wait3A_188 = arith.constant 0 : i32
        %dma_wait3A_189 = tpu.memref_slice %arg7[%mul3A_123, %dma_wait3A_187, %dma_wait3A_188] : memref<12500x4x128xf32, #tpu.memory_space<hbm>> -> memref<10x4x128xf32, #tpu.memory_space<hbm>>
        tpu.wait_dma2 semaphore(%arg30 : memref<!tpu.dma_semaphore, #tpu.memory_space<semaphore_mem>>) src(%arg26 : memref<10x4x128xf32, #tpu.memory_space<vmem>>) dst(%dma_wait3A_189 : memref<10x4x128xf32, #tpu.memory_space<hbm>>)
        %dma_wait3A_190 = arith.constant 0 : i32
        %dma_wait3A_191 = arith.constant 0 : i32
        %dma_wait3A_192 = tpu.memref_slice %arg8[%mul3A_123, %dma_wait3A_190, %dma_wait3A_191] : memref<12500x4x128xf32, #tpu.memory_space<hbm>> -> memref<10x4x128xf32, #tpu.memory_space<hbm>>
        %dma_wait3A_193 = arith.constant 0 : i32
        %dma_wait3A_194 = arith.constant 0 : i32
        %dma_wait3A_195 = tpu.memref_slice %arg8[%mul3A_123, %dma_wait3A_193, %dma_wait3A_194] : memref<12500x4x128xf32, #tpu.memory_space<hbm>> -> memref<10x4x128xf32, #tpu.memory_space<hbm>>
        tpu.wait_dma2 semaphore(%arg30 : memref<!tpu.dma_semaphore, #tpu.memory_space<semaphore_mem>>) src(%arg27 : memref<10x4x128xf32, #tpu.memory_space<vmem>>) dst(%dma_wait3A_195 : memref<10x4x128xf32, #tpu.memory_space<hbm>>)
      } else {
      }
      %lt3A_112 = arith.constant 1250 : i32
      %lt3A_113 = arith.cmpi slt, %add3A_91, %lt3A_112 : i32
      %convert_element_type3A_114 = arith.extui %lt3A_113 : i1 to i32
      %cond3A_115 = arith.constant 0 : i32
      %cond3A_116 = arith.cmpi ne, %convert_element_type3A_114, %cond3A_115 : i32
      scf.if %cond3A_116 {
        %dma_wait3A_122 = arith.constant 0 : i32
        %dma_wait3A_123 = arith.constant 0 : i32
        %dma_wait3A_124 = tpu.memref_slice %arg2[%dma_wait3A_122, %dma_wait3A_123] : memref<50000x16xf32, #tpu.memory_space<hbm>> -> memref<50000x16xf32, #tpu.memory_space<hbm>>
        tpu.wait_indirect_dma semaphore(%arg29 : memref<!tpu.dma_semaphore, #tpu.memory_space<semaphore_mem>>) src(%dma_wait3A_124 : memref<50000x16xf32, #tpu.memory_space<hbm>>) dst(%arg22 : memref<1280x16xf32, #tpu.memory_space<vmem>>)
        %mul3A_125 = arith.constant 10 : i32
        %mul3A_126 = arith.muli %add3A_91, %mul3A_125 : i32
        %dma_wait3A_127 = arith.constant 0 : i32
        %dma_wait3A_128 = arith.constant 0 : i32
        %dma_wait3A_129 = tpu.memref_slice %arg4[%mul3A_126, %dma_wait3A_127, %dma_wait3A_128] : memref<12500x3x128xf32, #tpu.memory_space<hbm>> -> memref<10x3x128xf32, #tpu.memory_space<hbm>>
        %dma_wait3A_130 = arith.constant 0 : i32
        %dma_wait3A_131 = arith.constant 0 : i32
        %dma_wait3A_132 = tpu.memref_slice %arg4[%mul3A_126, %dma_wait3A_130, %dma_wait3A_131] : memref<12500x3x128xf32, #tpu.memory_space<hbm>> -> memref<10x3x128xf32, #tpu.memory_space<hbm>>
        tpu.wait_dma2 semaphore(%arg28 : memref<!tpu.dma_semaphore, #tpu.memory_space<semaphore_mem>>) src(%dma_wait3A_132 : memref<10x3x128xf32, #tpu.memory_space<hbm>>) dst(%arg23 : memref<10x3x128xf32, #tpu.memory_space<vmem>>)
        %dma_wait3A_133 = arith.constant 0 : i32
        %dma_wait3A_134 = arith.constant 0 : i32
        %dma_wait3A_135 = tpu.memref_slice %arg5[%mul3A_126, %dma_wait3A_133, %dma_wait3A_134] : memref<12500x3x128xf32, #tpu.memory_space<hbm>> -> memref<10x3x128xf32, #tpu.memory_space<hbm>>
        %dma_wait3A_136 = arith.constant 0 : i32
        %dma_wait3A_137 = arith.constant 0 : i32
        %dma_wait3A_138 = tpu.memref_slice %arg5[%mul3A_126, %dma_wait3A_136, %dma_wait3A_137] : memref<12500x3x128xf32, #tpu.memory_space<hbm>> -> memref<10x3x128xf32, #tpu.memory_space<hbm>>
        tpu.wait_dma2 semaphore(%arg28 : memref<!tpu.dma_semaphore, #tpu.memory_space<semaphore_mem>>) src(%dma_wait3A_138 : memref<10x3x128xf32, #tpu.memory_space<hbm>>) dst(%arg24 : memref<10x3x128xf32, #tpu.memory_space<vmem>>)
        %parallel_loop3A = arith.constant 0 : i32
        %parallel_loop3A_139 = arith.constant 80 : i32
        %parallel_loop3A_140 = arith.constant 1 : i32
        scf.for %parallel_loop3A_215 = %parallel_loop3A to %parallel_loop3A_139 step %parallel_loop3A_140  : i32 {
          %parallel_loop3A_216 = arith.constant 8 : i32
          %parallel_loop3A_217 = arith.divsi %parallel_loop3A_215, %parallel_loop3A_216 : i32
          %parallel_loop3A_218 = arith.constant 0 : i32
          %parallel_loop3A_219 = arith.cmpi sgt, %parallel_loop3A_215, %parallel_loop3A_218 : i32
          %parallel_loop3A_220 = arith.extui %parallel_loop3A_219 : i1 to i32
          %parallel_loop3A_221 = arith.constant 0 : i32
          %parallel_loop3A_222 = arith.cmpi slt, %parallel_loop3A_215, %parallel_loop3A_221 : i32
          %parallel_loop3A_223 = arith.extui %parallel_loop3A_222 : i1 to i32
          %parallel_loop3A_224 = arith.subi %parallel_loop3A_220, %parallel_loop3A_223 : i32
          %parallel_loop3A_225 = arith.constant 0 : i32
          %parallel_loop3A_226 = arith.cmpi sgt, %parallel_loop3A_216, %parallel_loop3A_225 : i32
          %parallel_loop3A_227 = arith.extui %parallel_loop3A_226 : i1 to i32
          %parallel_loop3A_228 = arith.constant 0 : i32
          %parallel_loop3A_229 = arith.cmpi slt, %parallel_loop3A_216, %parallel_loop3A_228 : i32
          %parallel_loop3A_230 = arith.extui %parallel_loop3A_229 : i1 to i32
          %parallel_loop3A_231 = arith.subi %parallel_loop3A_227, %parallel_loop3A_230 : i32
          %parallel_loop3A_232 = arith.cmpi ne, %parallel_loop3A_224, %parallel_loop3A_231 : i32
          %parallel_loop3A_233 = arith.remsi %parallel_loop3A_215, %parallel_loop3A_216 : i32
          %parallel_loop3A_234 = arith.constant 0 : i32
          %parallel_loop3A_235 = arith.cmpi ne, %parallel_loop3A_233, %parallel_loop3A_234 : i32
          %parallel_loop3A_236 = arith.andi %parallel_loop3A_232, %parallel_loop3A_235 : i1
          %parallel_loop3A_237 = arith.constant 1 : i32
          %parallel_loop3A_238 = arith.subi %parallel_loop3A_217, %parallel_loop3A_237 : i32
          %parallel_loop3A_239 = arith.select %parallel_loop3A_236, %parallel_loop3A_238, %parallel_loop3A_217 : i32
          %parallel_loop3A_240 = arith.constant 8 : i32
          %parallel_loop3A_241 = arith.constant 0 : i32
          %parallel_loop3A_242 = arith.cmpi eq, %parallel_loop3A_240, %parallel_loop3A_241 : i32
          %parallel_loop3A_243 = arith.constant 1 : i32
          %parallel_loop3A_244 = arith.select %parallel_loop3A_242, %parallel_loop3A_243, %parallel_loop3A_240 : i32
          %parallel_loop3A_245 = arith.remsi %parallel_loop3A_215, %parallel_loop3A_244 : i32
          %parallel_loop3A_246 = arith.constant 0 : i32
          %parallel_loop3A_247 = arith.cmpi ne, %parallel_loop3A_245, %parallel_loop3A_246 : i32
          %parallel_loop3A_248 = arith.constant 0 : i32
          %parallel_loop3A_249 = arith.cmpi slt, %parallel_loop3A_245, %parallel_loop3A_248 : i32
          %parallel_loop3A_250 = arith.constant 0 : i32
          %parallel_loop3A_251 = arith.cmpi slt, %parallel_loop3A_244, %parallel_loop3A_250 : i32
          %parallel_loop3A_252 = arith.xori %parallel_loop3A_249, %parallel_loop3A_251 : i1
          %parallel_loop3A_253 = arith.andi %parallel_loop3A_252, %parallel_loop3A_247 : i1
          %parallel_loop3A_254 = arith.addi %parallel_loop3A_245, %parallel_loop3A_244 : i32
          %parallel_loop3A_255 = arith.select %parallel_loop3A_253, %parallel_loop3A_254, %parallel_loop3A_245 : i32
          %parallel_loop3A_256 = arith.constant 16 : i32
          %parallel_loop3A_257 = arith.muli %parallel_loop3A_255, %parallel_loop3A_256 : i32
          %parallel_loop3A_258 = arith.constant 16 : i32
          %parallel_loop3A_259 = arith.muli %parallel_loop3A_215, %parallel_loop3A_258 : i32
          %parallel_loop3A_260 = vector.broadcast %parallel_loop3A_259 : i32 to vector<16xi32>
          %parallel_loop3A_261 = arith.addi %iota3A, %parallel_loop3A_260 : vector<16xi32>
          %parallel_loop3A_262 = arith.constant 0 : i32
          %parallel_loop3A_263 = vector.broadcast %parallel_loop3A_262 : i32 to vector<16xi32>
          %parallel_loop3A_264 = tpu.vector_load_idx %arg22[%parallel_loop3A_261, %parallel_loop3A_263] : memref<1280x16xf32, #tpu.memory_space<vmem>>[vector<16xi32>, vector<16xi32>], vector<16xf32>,
          %parallel_loop3A_265 = arith.constant 1 : i32
          %parallel_loop3A_266 = vector.broadcast %parallel_loop3A_265 : i32 to vector<16xi32>
          %parallel_loop3A_267 = tpu.vector_load_idx %arg22[%parallel_loop3A_261, %parallel_loop3A_266] : memref<1280x16xf32, #tpu.memory_space<vmem>>[vector<16xi32>, vector<16xi32>], vector<16xf32>,
          %parallel_loop3A_268 = arith.constant 2 : i32
          %parallel_loop3A_269 = vector.broadcast %parallel_loop3A_268 : i32 to vector<16xi32>
          %parallel_loop3A_270 = tpu.vector_load_idx %arg22[%parallel_loop3A_261, %parallel_loop3A_269] : memref<1280x16xf32, #tpu.memory_space<vmem>>[vector<16xi32>, vector<16xi32>], vector<16xf32>,
          %parallel_loop3A_271 = arith.constant 3 : i32
          %parallel_loop3A_272 = vector.broadcast %parallel_loop3A_271 : i32 to vector<16xi32>
          %parallel_loop3A_273 = tpu.vector_load_idx %arg22[%parallel_loop3A_261, %parallel_loop3A_272] : memref<1280x16xf32, #tpu.memory_space<vmem>>[vector<16xi32>, vector<16xi32>], vector<16xf32>,
          %parallel_loop3A_274 = arith.constant 4 : i32
          %parallel_loop3A_275 = vector.broadcast %parallel_loop3A_274 : i32 to vector<16xi32>
          %parallel_loop3A_276 = tpu.vector_load_idx %arg22[%parallel_loop3A_261, %parallel_loop3A_275] : memref<1280x16xf32, #tpu.memory_space<vmem>>[vector<16xi32>, vector<16xi32>], vector<16xf32>,
          %parallel_loop3A_277 = arith.constant 5 : i32
          %parallel_loop3A_278 = vector.broadcast %parallel_loop3A_277 : i32 to vector<16xi32>
          %parallel_loop3A_279 = tpu.vector_load_idx %arg22[%parallel_loop3A_261, %parallel_loop3A_278] : memref<1280x16xf32, #tpu.memory_space<vmem>>[vector<16xi32>, vector<16xi32>], vector<16xf32>,
          %parallel_loop3A_280 = arith.constant 6 : i32
          %parallel_loop3A_281 = vector.broadcast %parallel_loop3A_280 : i32 to vector<16xi32>
          %parallel_loop3A_282 = tpu.vector_load_idx %arg22[%parallel_loop3A_261, %parallel_loop3A_281] : memref<1280x16xf32, #tpu.memory_space<vmem>>[vector<16xi32>, vector<16xi32>], vector<16xf32>,
          %parallel_loop3A_283 = arith.constant 7 : i32
          %parallel_loop3A_284 = vector.broadcast %parallel_loop3A_283 : i32 to vector<16xi32>
          %parallel_loop3A_285 = tpu.vector_load_idx %arg22[%parallel_loop3A_261, %parallel_loop3A_284] : memref<1280x16xf32, #tpu.memory_space<vmem>>[vector<16xi32>, vector<16xi32>], vector<16xf32>,
          %parallel_loop3A_286 = arith.constant 8 : i32
          %parallel_loop3A_287 = vector.broadcast %parallel_loop3A_286 : i32 to vector<16xi32>
          %parallel_loop3A_288 = tpu.vector_load_idx %arg22[%parallel_loop3A_261, %parallel_loop3A_287] : memref<1280x16xf32, #tpu.memory_space<vmem>>[vector<16xi32>, vector<16xi32>], vector<16xf32>,
          %parallel_loop3A_289 = arith.constant 9 : i32
          %parallel_loop3A_290 = vector.broadcast %parallel_loop3A_289 : i32 to vector<16xi32>
          %parallel_loop3A_291 = tpu.vector_load_idx %arg22[%parallel_loop3A_261, %parallel_loop3A_290] : memref<1280x16xf32, #tpu.memory_space<vmem>>[vector<16xi32>, vector<16xi32>], vector<16xf32>,
          %parallel_loop3A_292 = arith.constant 10 : i32
          %parallel_loop3A_293 = vector.broadcast %parallel_loop3A_292 : i32 to vector<16xi32>
          %parallel_loop3A_294 = tpu.vector_load_idx %arg22[%parallel_loop3A_261, %parallel_loop3A_293] : memref<1280x16xf32, #tpu.memory_space<vmem>>[vector<16xi32>, vector<16xi32>], vector<16xf32>,
          %parallel_loop3A_295 = arith.constant 11 : i32
          %parallel_loop3A_296 = vector.broadcast %parallel_loop3A_295 : i32 to vector<16xi32>
          %parallel_loop3A_297 = tpu.vector_load_idx %arg22[%parallel_loop3A_261, %parallel_loop3A_296] : memref<1280x16xf32, #tpu.memory_space<vmem>>[vector<16xi32>, vector<16xi32>], vector<16xf32>,
          %parallel_loop3A_298 = arith.constant 12 : i32
          %parallel_loop3A_299 = vector.broadcast %parallel_loop3A_298 : i32 to vector<16xi32>
          %parallel_loop3A_300 = tpu.vector_load_idx %arg22[%parallel_loop3A_261, %parallel_loop3A_299] : memref<1280x16xf32, #tpu.memory_space<vmem>>[vector<16xi32>, vector<16xi32>], vector<16xf32>,
          %parallel_loop3A_301 = arith.constant 0 : i32
          %parallel_loop3A_302 = arith.index_cast %parallel_loop3A_239 : i32 to index
          %parallel_loop3A_303 = arith.index_cast %parallel_loop3A_301 : i32 to index
          %parallel_loop3A_304 = arith.index_cast %parallel_loop3A_257 : i32 to index
          %parallel_loop3A_305 = tpu.vector_load %arg23[%parallel_loop3A_302, %parallel_loop3A_303, %parallel_loop3A_304] {strides = array<i32>} : memref<10x3x128xf32, #tpu.memory_space<vmem>>, vector<16xf32>,
          %parallel_loop3A_306 = arith.constant 1 : i32
          %parallel_loop3A_307 = arith.index_cast %parallel_loop3A_239 : i32 to index
          %parallel_loop3A_308 = arith.index_cast %parallel_loop3A_306 : i32 to index
          %parallel_loop3A_309 = arith.index_cast %parallel_loop3A_257 : i32 to index
          %parallel_loop3A_310 = tpu.vector_load %arg23[%parallel_loop3A_307, %parallel_loop3A_308, %parallel_loop3A_309] {strides = array<i32>} : memref<10x3x128xf32, #tpu.memory_space<vmem>>, vector<16xf32>,
          %parallel_loop3A_311 = arith.constant 2 : i32
          %parallel_loop3A_312 = arith.index_cast %parallel_loop3A_239 : i32 to index
          %parallel_loop3A_313 = arith.index_cast %parallel_loop3A_311 : i32 to index
          %parallel_loop3A_314 = arith.index_cast %parallel_loop3A_257 : i32 to index
          %parallel_loop3A_315 = tpu.vector_load %arg23[%parallel_loop3A_312, %parallel_loop3A_313, %parallel_loop3A_314] {strides = array<i32>} : memref<10x3x128xf32, #tpu.memory_space<vmem>>, vector<16xf32>,
          %parallel_loop3A_316 = arith.constant 0 : i32
          %parallel_loop3A_317 = arith.index_cast %parallel_loop3A_239 : i32 to index
          %parallel_loop3A_318 = arith.index_cast %parallel_loop3A_316 : i32 to index
          %parallel_loop3A_319 = arith.index_cast %parallel_loop3A_257 : i32 to index
          %parallel_loop3A_320 = tpu.vector_load %arg24[%parallel_loop3A_317, %parallel_loop3A_318, %parallel_loop3A_319] {strides = array<i32>} : memref<10x3x128xf32, #tpu.memory_space<vmem>>, vector<16xf32>,
          %parallel_loop3A_321 = arith.constant 1 : i32
          %parallel_loop3A_322 = arith.index_cast %parallel_loop3A_239 : i32 to index
          %parallel_loop3A_323 = arith.index_cast %parallel_loop3A_321 : i32 to index
          %parallel_loop3A_324 = arith.index_cast %parallel_loop3A_257 : i32 to index
          %parallel_loop3A_325 = tpu.vector_load %arg24[%parallel_loop3A_322, %parallel_loop3A_323, %parallel_loop3A_324] {strides = array<i32>} : memref<10x3x128xf32, #tpu.memory_space<vmem>>, vector<16xf32>,
          %parallel_loop3A_326 = arith.constant 2 : i32
          %parallel_loop3A_327 = arith.index_cast %parallel_loop3A_239 : i32 to index
          %parallel_loop3A_328 = arith.index_cast %parallel_loop3A_326 : i32 to index
          %parallel_loop3A_329 = arith.index_cast %parallel_loop3A_257 : i32 to index
          %parallel_loop3A_330 = tpu.vector_load %arg24[%parallel_loop3A_327, %parallel_loop3A_328, %parallel_loop3A_329] {strides = array<i32>} : memref<10x3x128xf32, #tpu.memory_space<vmem>>, vector<16xf32>,
          %parallel_loop3A_331 = arith.mulf %parallel_loop3A_264, %parallel_loop3A_305 : vector<16xf32>
          %parallel_loop3A_332 = arith.mulf %parallel_loop3A_267, %parallel_loop3A_310 : vector<16xf32>
          %parallel_loop3A_333 = arith.addf %parallel_loop3A_331, %parallel_loop3A_332 : vector<16xf32>
          %parallel_loop3A_334 = arith.mulf %parallel_loop3A_270, %parallel_loop3A_315 : vector<16xf32>
          %parallel_loop3A_335 = arith.addf %parallel_loop3A_333, %parallel_loop3A_334 : vector<16xf32>
          %parallel_loop3A_336 = arith.addf %parallel_loop3A_335, %parallel_loop3A_291 : vector<16xf32>
          %parallel_loop3A_337 = arith.mulf %parallel_loop3A_273, %parallel_loop3A_305 : vector<16xf32>
          %parallel_loop3A_338 = arith.mulf %parallel_loop3A_276, %parallel_loop3A_310 : vector<16xf32>
          %parallel_loop3A_339 = arith.addf %parallel_loop3A_337, %parallel_loop3A_338 : vector<16xf32>
          %parallel_loop3A_340 = arith.mulf %parallel_loop3A_279, %parallel_loop3A_315 : vector<16xf32>
          %parallel_loop3A_341 = arith.addf %parallel_loop3A_339, %parallel_loop3A_340 : vector<16xf32>
          %parallel_loop3A_342 = arith.addf %parallel_loop3A_341, %parallel_loop3A_294 : vector<16xf32>
          %parallel_loop3A_343 = arith.mulf %parallel_loop3A_282, %parallel_loop3A_305 : vector<16xf32>
          %parallel_loop3A_344 = arith.mulf %parallel_loop3A_285, %parallel_loop3A_310 : vector<16xf32>
          %parallel_loop3A_345 = arith.addf %parallel_loop3A_343, %parallel_loop3A_344 : vector<16xf32>
          %parallel_loop3A_346 = arith.mulf %parallel_loop3A_288, %parallel_loop3A_315 : vector<16xf32>
          %parallel_loop3A_347 = arith.addf %parallel_loop3A_345, %parallel_loop3A_346 : vector<16xf32>
          %parallel_loop3A_348 = arith.addf %parallel_loop3A_347, %parallel_loop3A_297 : vector<16xf32>
          %parallel_loop3A_349 = arith.constant 1.000000e+00 : f32
          %parallel_loop3A_350 = vector.broadcast %parallel_loop3A_349 : f32 to vector<16xf32>
          %parallel_loop3A_351 = arith.subf %parallel_loop3A_350, %parallel_loop3A_300 : vector<16xf32>
          %parallel_loop3A_352 = arith.constant 0 : i32
          %parallel_loop3A_353 = arith.constant 0 : i32
          %parallel_loop3A_354 = arith.index_cast %parallel_loop3A_352 : i32 to index
          %parallel_loop3A_355 = arith.index_cast %parallel_loop3A_239 : i32 to index
          %parallel_loop3A_356 = arith.index_cast %parallel_loop3A_353 : i32 to index
          %parallel_loop3A_357 = arith.index_cast %parallel_loop3A_257 : i32 to index
          %parallel_loop3A_358 = tpu.vector_load %arg25[%parallel_loop3A_354, %parallel_loop3A_355, %parallel_loop3A_356, %parallel_loop3A_357] {strides = array<i32>} : memref<3x10x4x128xf32, #tpu.memory_space<vmem>>, vector<16xf32>,
          tpu.vector_store %arg25[%parallel_loop3A_354, %parallel_loop3A_355, %parallel_loop3A_356, %parallel_loop3A_357], %parallel_loop3A_264 {strides = array<i32>} : memref<3x10x4x128xf32, #tpu.memory_space<vmem>>, vector<16xf32>,
          %parallel_loop3A_359 = arith.constant 0 : i32
          %parallel_loop3A_360 = arith.constant 1 : i32
          %parallel_loop3A_361 = arith.index_cast %parallel_loop3A_359 : i32 to index
          %parallel_loop3A_362 = arith.index_cast %parallel_loop3A_239 : i32 to index
          %parallel_loop3A_363 = arith.index_cast %parallel_loop3A_360 : i32 to index
          %parallel_loop3A_364 = arith.index_cast %parallel_loop3A_257 : i32 to index
          %parallel_loop3A_365 = tpu.vector_load %arg25[%parallel_loop3A_361, %parallel_loop3A_362, %parallel_loop3A_363, %parallel_loop3A_364] {strides = array<i32>} : memref<3x10x4x128xf32, #tpu.memory_space<vmem>>, vector<16xf32>,
          tpu.vector_store %arg25[%parallel_loop3A_361, %parallel_loop3A_362, %parallel_loop3A_363, %parallel_loop3A_364], %parallel_loop3A_267 {strides = array<i32>} : memref<3x10x4x128xf32, #tpu.memory_space<vmem>>, vector<16xf32>,
          %parallel_loop3A_366 = arith.constant 0 : i32
          %parallel_loop3A_367 = arith.constant 2 : i32
          %parallel_loop3A_368 = arith.index_cast %parallel_loop3A_366 : i32 to index
          %parallel_loop3A_369 = arith.index_cast %parallel_loop3A_239 : i32 to index
          %parallel_loop3A_370 = arith.index_cast %parallel_loop3A_367 : i32 to index
          %parallel_loop3A_371 = arith.index_cast %parallel_loop3A_257 : i32 to index
          %parallel_loop3A_372 = tpu.vector_load %arg25[%parallel_loop3A_368, %parallel_loop3A_369, %parallel_loop3A_370, %parallel_loop3A_371] {strides = array<i32>} : memref<3x10x4x128xf32, #tpu.memory_space<vmem>>, vector<16xf32>,
          tpu.vector_store %arg25[%parallel_loop3A_368, %parallel_loop3A_369, %parallel_loop3A_370, %parallel_loop3A_371], %parallel_loop3A_270 {strides = array<i32>} : memref<3x10x4x128xf32, #tpu.memory_space<vmem>>, vector<16xf32>,
          %parallel_loop3A_373 = arith.constant 1 : i32
          %parallel_loop3A_374 = arith.constant 0 : i32
          %parallel_loop3A_375 = arith.index_cast %parallel_loop3A_373 : i32 to index
          %parallel_loop3A_376 = arith.index_cast %parallel_loop3A_239 : i32 to index
          %parallel_loop3A_377 = arith.index_cast %parallel_loop3A_374 : i32 to index
          %parallel_loop3A_378 = arith.index_cast %parallel_loop3A_257 : i32 to index
          %parallel_loop3A_379 = tpu.vector_load %arg25[%parallel_loop3A_375, %parallel_loop3A_376, %parallel_loop3A_377, %parallel_loop3A_378] {strides = array<i32>} : memref<3x10x4x128xf32, #tpu.memory_space<vmem>>, vector<16xf32>,
          tpu.vector_store %arg25[%parallel_loop3A_375, %parallel_loop3A_376, %parallel_loop3A_377, %parallel_loop3A_378], %parallel_loop3A_273 {strides = array<i32>} : memref<3x10x4x128xf32, #tpu.memory_space<vmem>>, vector<16xf32>,
          %parallel_loop3A_380 = arith.constant 1 : i32
          %parallel_loop3A_381 = arith.constant 1 : i32
          %parallel_loop3A_382 = arith.index_cast %parallel_loop3A_380 : i32 to index
          %parallel_loop3A_383 = arith.index_cast %parallel_loop3A_239 : i32 to index
          %parallel_loop3A_384 = arith.index_cast %parallel_loop3A_381 : i32 to index
          %parallel_loop3A_385 = arith.index_cast %parallel_loop3A_257 : i32 to index
          %parallel_loop3A_386 = tpu.vector_load %arg25[%parallel_loop3A_382, %parallel_loop3A_383, %parallel_loop3A_384, %parallel_loop3A_385] {strides = array<i32>} : memref<3x10x4x128xf32, #tpu.memory_space<vmem>>, vector<16xf32>,
          tpu.vector_store %arg25[%parallel_loop3A_382, %parallel_loop3A_383, %parallel_loop3A_384, %parallel_loop3A_385], %parallel_loop3A_276 {strides = array<i32>} : memref<3x10x4x128xf32, #tpu.memory_space<vmem>>, vector<16xf32>,
          %parallel_loop3A_387 = arith.constant 1 : i32
          %parallel_loop3A_388 = arith.constant 2 : i32
          %parallel_loop3A_389 = arith.index_cast %parallel_loop3A_387 : i32 to index
          %parallel_loop3A_390 = arith.index_cast %parallel_loop3A_239 : i32 to index
          %parallel_loop3A_391 = arith.index_cast %parallel_loop3A_388 : i32 to index
          %parallel_loop3A_392 = arith.index_cast %parallel_loop3A_257 : i32 to index
          %parallel_loop3A_393 = tpu.vector_load %arg25[%parallel_loop3A_389, %parallel_loop3A_390, %parallel_loop3A_391, %parallel_loop3A_392] {strides = array<i32>} : memref<3x10x4x128xf32, #tpu.memory_space<vmem>>, vector<16xf32>,
          tpu.vector_store %arg25[%parallel_loop3A_389, %parallel_loop3A_390, %parallel_loop3A_391, %parallel_loop3A_392], %parallel_loop3A_279 {strides = array<i32>} : memref<3x10x4x128xf32, #tpu.memory_space<vmem>>, vector<16xf32>,
          %parallel_loop3A_394 = arith.constant 2 : i32
          %parallel_loop3A_395 = arith.constant 0 : i32
          %parallel_loop3A_396 = arith.index_cast %parallel_loop3A_394 : i32 to index
          %parallel_loop3A_397 = arith.index_cast %parallel_loop3A_239 : i32 to index
          %parallel_loop3A_398 = arith.index_cast %parallel_loop3A_395 : i32 to index
          %parallel_loop3A_399 = arith.index_cast %parallel_loop3A_257 : i32 to index
          %parallel_loop3A_400 = tpu.vector_load %arg25[%parallel_loop3A_396, %parallel_loop3A_397, %parallel_loop3A_398, %parallel_loop3A_399] {strides = array<i32>} : memref<3x10x4x128xf32, #tpu.memory_space<vmem>>, vector<16xf32>,
          tpu.vector_store %arg25[%parallel_loop3A_396, %parallel_loop3A_397, %parallel_loop3A_398, %parallel_loop3A_399], %parallel_loop3A_282 {strides = array<i32>} : memref<3x10x4x128xf32, #tpu.memory_space<vmem>>, vector<16xf32>,
          %parallel_loop3A_401 = arith.constant 2 : i32
          %parallel_loop3A_402 = arith.constant 1 : i32
          %parallel_loop3A_403 = arith.index_cast %parallel_loop3A_401 : i32 to index
          %parallel_loop3A_404 = arith.index_cast %parallel_loop3A_239 : i32 to index
          %parallel_loop3A_405 = arith.index_cast %parallel_loop3A_402 : i32 to index
          %parallel_loop3A_406 = arith.index_cast %parallel_loop3A_257 : i32 to index
          %parallel_loop3A_407 = tpu.vector_load %arg25[%parallel_loop3A_403, %parallel_loop3A_404, %parallel_loop3A_405, %parallel_loop3A_406] {strides = array<i32>} : memref<3x10x4x128xf32, #tpu.memory_space<vmem>>, vector<16xf32>,
          tpu.vector_store %arg25[%parallel_loop3A_403, %parallel_loop3A_404, %parallel_loop3A_405, %parallel_loop3A_406], %parallel_loop3A_285 {strides = array<i32>} : memref<3x10x4x128xf32, #tpu.memory_space<vmem>>, vector<16xf32>,
          %parallel_loop3A_408 = arith.constant 2 : i32
          %parallel_loop3A_409 = arith.constant 2 : i32
          %parallel_loop3A_410 = arith.index_cast %parallel_loop3A_408 : i32 to index
          %parallel_loop3A_411 = arith.index_cast %parallel_loop3A_239 : i32 to index
          %parallel_loop3A_412 = arith.index_cast %parallel_loop3A_409 : i32 to index
          %parallel_loop3A_413 = arith.index_cast %parallel_loop3A_257 : i32 to index
          %parallel_loop3A_414 = tpu.vector_load %arg25[%parallel_loop3A_410, %parallel_loop3A_411, %parallel_loop3A_412, %parallel_loop3A_413] {strides = array<i32>} : memref<3x10x4x128xf32, #tpu.memory_space<vmem>>, vector<16xf32>,
          tpu.vector_store %arg25[%parallel_loop3A_410, %parallel_loop3A_411, %parallel_loop3A_412, %parallel_loop3A_413], %parallel_loop3A_288 {strides = array<i32>} : memref<3x10x4x128xf32, #tpu.memory_space<vmem>>, vector<16xf32>,
          %parallel_loop3A_415 = arith.constant 0 : i32
          %parallel_loop3A_416 = arith.index_cast %parallel_loop3A_239 : i32 to index
          %parallel_loop3A_417 = arith.index_cast %parallel_loop3A_415 : i32 to index
          %parallel_loop3A_418 = arith.index_cast %parallel_loop3A_257 : i32 to index
          %parallel_loop3A_419 = tpu.vector_load %arg26[%parallel_loop3A_416, %parallel_loop3A_417, %parallel_loop3A_418] {strides = array<i32>} : memref<10x4x128xf32, #tpu.memory_space<vmem>>, vector<16xf32>,
          tpu.vector_store %arg26[%parallel_loop3A_416, %parallel_loop3A_417, %parallel_loop3A_418], %parallel_loop3A_291 {strides = array<i32>} : memref<10x4x128xf32, #tpu.memory_space<vmem>>, vector<16xf32>,
          %parallel_loop3A_420 = arith.constant 1 : i32
          %parallel_loop3A_421 = arith.index_cast %parallel_loop3A_239 : i32 to index
          %parallel_loop3A_422 = arith.index_cast %parallel_loop3A_420 : i32 to index
          %parallel_loop3A_423 = arith.index_cast %parallel_loop3A_257 : i32 to index
          %parallel_loop3A_424 = tpu.vector_load %arg26[%parallel_loop3A_421, %parallel_loop3A_422, %parallel_loop3A_423] {strides = array<i32>} : memref<10x4x128xf32, #tpu.memory_space<vmem>>, vector<16xf32>,
          tpu.vector_store %arg26[%parallel_loop3A_421, %parallel_loop3A_422, %parallel_loop3A_423], %parallel_loop3A_294 {strides = array<i32>} : memref<10x4x128xf32, #tpu.memory_space<vmem>>, vector<16xf32>,
          %parallel_loop3A_425 = arith.constant 2 : i32
          %parallel_loop3A_426 = arith.index_cast %parallel_loop3A_239 : i32 to index
          %parallel_loop3A_427 = arith.index_cast %parallel_loop3A_425 : i32 to index
          %parallel_loop3A_428 = arith.index_cast %parallel_loop3A_257 : i32 to index
          %parallel_loop3A_429 = tpu.vector_load %arg26[%parallel_loop3A_426, %parallel_loop3A_427, %parallel_loop3A_428] {strides = array<i32>} : memref<10x4x128xf32, #tpu.memory_space<vmem>>, vector<16xf32>,
          tpu.vector_store %arg26[%parallel_loop3A_426, %parallel_loop3A_427, %parallel_loop3A_428], %parallel_loop3A_297 {strides = array<i32>} : memref<10x4x128xf32, #tpu.memory_space<vmem>>, vector<16xf32>,
          %parallel_loop3A_430 = arith.mulf %parallel_loop3A_320, %parallel_loop3A_300 : vector<16xf32>
          %parallel_loop3A_431 = arith.mulf %parallel_loop3A_336, %parallel_loop3A_351 : vector<16xf32>
          %parallel_loop3A_432 = arith.addf %parallel_loop3A_430, %parallel_loop3A_431 : vector<16xf32>
          %parallel_loop3A_433 = arith.constant 0 : i32
          %parallel_loop3A_434 = arith.index_cast %parallel_loop3A_239 : i32 to index
          %parallel_loop3A_435 = arith.index_cast %parallel_loop3A_433 : i32 to index
          %parallel_loop3A_436 = arith.index_cast %parallel_loop3A_257 : i32 to index
          %parallel_loop3A_437 = tpu.vector_load %arg27[%parallel_loop3A_434, %parallel_loop3A_435, %parallel_loop3A_436] {strides = array<i32>} : memref<10x4x128xf32, #tpu.memory_space<vmem>>, vector<16xf32>,
          tpu.vector_store %arg27[%parallel_loop3A_434, %parallel_loop3A_435, %parallel_loop3A_436], %parallel_loop3A_432 {strides = array<i32>} : memref<10x4x128xf32, #tpu.memory_space<vmem>>, vector<16xf32>,
          %parallel_loop3A_438 = arith.mulf %parallel_loop3A_325, %parallel_loop3A_300 : vector<16xf32>
          %parallel_loop3A_439 = arith.mulf %parallel_loop3A_342, %parallel_loop3A_351 : vector<16xf32>
          %parallel_loop3A_440 = arith.addf %parallel_loop3A_438, %parallel_loop3A_439 : vector<16xf32>
          %parallel_loop3A_441 = arith.constant 1 : i32
          %parallel_loop3A_442 = arith.index_cast %parallel_loop3A_239 : i32 to index
          %parallel_loop3A_443 = arith.index_cast %parallel_loop3A_441 : i32 to index
          %parallel_loop3A_444 = arith.index_cast %parallel_loop3A_257 : i32 to index
          %parallel_loop3A_445 = tpu.vector_load %arg27[%parallel_loop3A_442, %parallel_loop3A_443, %parallel_loop3A_444] {strides = array<i32>} : memref<10x4x128xf32, #tpu.memory_space<vmem>>, vector<16xf32>,
          tpu.vector_store %arg27[%parallel_loop3A_442, %parallel_loop3A_443, %parallel_loop3A_444], %parallel_loop3A_440 {strides = array<i32>} : memref<10x4x128xf32, #tpu.memory_space<vmem>>, vector<16xf32>,
          %parallel_loop3A_446 = arith.mulf %parallel_loop3A_330, %parallel_loop3A_300 : vector<16xf32>
          %parallel_loop3A_447 = arith.mulf %parallel_loop3A_348, %parallel_loop3A_351 : vector<16xf32>
          %parallel_loop3A_448 = arith.addf %parallel_loop3A_446, %parallel_loop3A_447 : vector<16xf32>
          %parallel_loop3A_449 = arith.constant 2 : i32
          %parallel_loop3A_450 = arith.index_cast %parallel_loop3A_239 : i32 to index
          %parallel_loop3A_451 = arith.index_cast %parallel_loop3A_449 : i32 to index
          %parallel_loop3A_452 = arith.index_cast %parallel_loop3A_257 : i32 to index
          %parallel_loop3A_453 = tpu.vector_load %arg27[%parallel_loop3A_450, %parallel_loop3A_451, %parallel_loop3A_452] {strides = array<i32>} : memref<10x4x128xf32, #tpu.memory_space<vmem>>, vector<16xf32>,
          tpu.vector_store %arg27[%parallel_loop3A_450, %parallel_loop3A_451, %parallel_loop3A_452], %parallel_loop3A_448 {strides = array<i32>} : memref<10x4x128xf32, #tpu.memory_space<vmem>>, vector<16xf32>,
        } {sc.loop_unroll_factor = 2 : i64, sc.parallel_access}
        %mul3A_141 = arith.constant 10 : i32
        %mul3A_142 = arith.muli %add3A_91, %mul3A_141 : i32
        %dma_start3A_143 = arith.constant 0 : i32
        %dma_start3A_144 = arith.constant 0 : i32
        %dma_start3A_145 = arith.constant 0 : i32
        %dma_start3A_146 = arith.constant 0 : i32
        %dma_start3A_147 = arith.constant 0 : i32
        %dma_start3A_148 = tpu.memref_slice %arg25[%dma_start3A_143, %dma_start3A_145, %dma_start3A_146, %dma_start3A_147] : memref<3x10x4x128xf32, #tpu.memory_space<vmem>> -> memref<1x10x4x128xf32, #tpu.memory_space<vmem>>
        %dma_start3A_149 = tpu.memref_squeeze %dma_start3A_148 : memref<1x10x4x128xf32, #tpu.memory_space<vmem>> -> memref<10x4x128xf32, #tpu.memory_space<vmem>>
        %dma_start3A_150 = arith.constant 0 : i32
        %dma_start3A_151 = arith.constant 0 : i32
        %dma_start3A_152 = tpu.memref_slice %arg6[%dma_start3A_144, %mul3A_142, %dma_start3A_150, %dma_start3A_151] : memref<3x12500x4x128xf32, #tpu.memory_space<hbm>> -> memref<1x10x4x128xf32, #tpu.memory_space<hbm>>
        %dma_start3A_153 = tpu.memref_squeeze %dma_start3A_152 : memref<1x10x4x128xf32, #tpu.memory_space<hbm>> -> memref<10x4x128xf32, #tpu.memory_space<hbm>>
        %dma_start3A_154 = arith.constant 0 : i32
        %dma_start3A_155 = arith.constant 0 : i32
        %dma_start3A_156 = tpu.memref_slice %arg6[%dma_start3A_144, %mul3A_142, %dma_start3A_154, %dma_start3A_155] : memref<3x12500x4x128xf32, #tpu.memory_space<hbm>> -> memref<1x10x4x128xf32, #tpu.memory_space<hbm>>
        %dma_start3A_157 = tpu.memref_squeeze %dma_start3A_156 : memref<1x10x4x128xf32, #tpu.memory_space<hbm>> -> memref<10x4x128xf32, #tpu.memory_space<hbm>>
        %dma_start3A_158 = arith.constant 0 : i32
        %dma_start3A_159 = arith.constant 0 : i32
        %dma_start3A_160 = arith.constant 0 : i32
        %dma_start3A_161 = tpu.memref_slice %arg25[%dma_start3A_143, %dma_start3A_158, %dma_start3A_159, %dma_start3A_160] : memref<3x10x4x128xf32, #tpu.memory_space<vmem>> -> memref<1x10x4x128xf32, #tpu.memory_space<vmem>>
        %dma_start3A_162 = tpu.memref_squeeze %dma_start3A_161 : memref<1x10x4x128xf32, #tpu.memory_space<vmem>> -> memref<10x4x128xf32, #tpu.memory_space<vmem>>
        tpu.enqueue_dma source(%dma_start3A_162 : memref<10x4x128xf32, #tpu.memory_space<vmem>>) target(%dma_start3A_157 : memref<10x4x128xf32, #tpu.memory_space<hbm>>) target_semaphore(%arg30 : memref<!tpu.dma_semaphore, #tpu.memory_space<semaphore_mem>>)
        %dma_start3A_163 = arith.constant 1 : i32
        %dma_start3A_164 = arith.constant 1 : i32
        %dma_start3A_165 = arith.constant 0 : i32
        %dma_start3A_166 = arith.constant 0 : i32
        %dma_start3A_167 = arith.constant 0 : i32
        %dma_start3A_168 = tpu.memref_slice %arg25[%dma_start3A_163, %dma_start3A_165, %dma_start3A_166, %dma_start3A_167] : memref<3x10x4x128xf32, #tpu.memory_space<vmem>> -> memref<1x10x4x128xf32, #tpu.memory_space<vmem>>
        %dma_start3A_169 = tpu.memref_squeeze %dma_start3A_168 : memref<1x10x4x128xf32, #tpu.memory_space<vmem>> -> memref<10x4x128xf32, #tpu.memory_space<vmem>>
        %dma_start3A_170 = arith.constant 0 : i32
        %dma_start3A_171 = arith.constant 0 : i32
        %dma_start3A_172 = tpu.memref_slice %arg6[%dma_start3A_164, %mul3A_142, %dma_start3A_170, %dma_start3A_171] : memref<3x12500x4x128xf32, #tpu.memory_space<hbm>> -> memref<1x10x4x128xf32, #tpu.memory_space<hbm>>
        %dma_start3A_173 = tpu.memref_squeeze %dma_start3A_172 : memref<1x10x4x128xf32, #tpu.memory_space<hbm>> -> memref<10x4x128xf32, #tpu.memory_space<hbm>>
        %dma_start3A_174 = arith.constant 0 : i32
        %dma_start3A_175 = arith.constant 0 : i32
        %dma_start3A_176 = tpu.memref_slice %arg6[%dma_start3A_164, %mul3A_142, %dma_start3A_174, %dma_start3A_175] : memref<3x12500x4x128xf32, #tpu.memory_space<hbm>> -> memref<1x10x4x128xf32, #tpu.memory_space<hbm>>
        %dma_start3A_177 = tpu.memref_squeeze %dma_start3A_176 : memref<1x10x4x128xf32, #tpu.memory_space<hbm>> -> memref<10x4x128xf32, #tpu.memory_space<hbm>>
        %dma_start3A_178 = arith.constant 0 : i32
        %dma_start3A_179 = arith.constant 0 : i32
        %dma_start3A_180 = arith.constant 0 : i32
        %dma_start3A_181 = tpu.memref_slice %arg25[%dma_start3A_163, %dma_start3A_178, %dma_start3A_179, %dma_start3A_180] : memref<3x10x4x128xf32, #tpu.memory_space<vmem>> -> memref<1x10x4x128xf32, #tpu.memory_space<vmem>>
        %dma_start3A_182 = tpu.memref_squeeze %dma_start3A_181 : memref<1x10x4x128xf32, #tpu.memory_space<vmem>> -> memref<10x4x128xf32, #tpu.memory_space<vmem>>
        tpu.enqueue_dma source(%dma_start3A_182 : memref<10x4x128xf32, #tpu.memory_space<vmem>>) target(%dma_start3A_177 : memref<10x4x128xf32, #tpu.memory_space<hbm>>) target_semaphore(%arg30 : memref<!tpu.dma_semaphore, #tpu.memory_space<semaphore_mem>>)
        %dma_start3A_183 = arith.constant 2 : i32
        %dma_start3A_184 = arith.constant 2 : i32
        %dma_start3A_185 = arith.constant 0 : i32
        %dma_start3A_186 = arith.constant 0 : i32
        %dma_start3A_187 = arith.constant 0 : i32
        %dma_start3A_188 = tpu.memref_slice %arg25[%dma_start3A_183, %dma_start3A_185, %dma_start3A_186, %dma_start3A_187] : memref<3x10x4x128xf32, #tpu.memory_space<vmem>> -> memref<1x10x4x128xf32, #tpu.memory_space<vmem>>
        %dma_start3A_189 = tpu.memref_squeeze %dma_start3A_188 : memref<1x10x4x128xf32, #tpu.memory_space<vmem>> -> memref<10x4x128xf32, #tpu.memory_space<vmem>>
        %dma_start3A_190 = arith.constant 0 : i32
        %dma_start3A_191 = arith.constant 0 : i32
        %dma_start3A_192 = tpu.memref_slice %arg6[%dma_start3A_184, %mul3A_142, %dma_start3A_190, %dma_start3A_191] : memref<3x12500x4x128xf32, #tpu.memory_space<hbm>> -> memref<1x10x4x128xf32, #tpu.memory_space<hbm>>
        %dma_start3A_193 = tpu.memref_squeeze %dma_start3A_192 : memref<1x10x4x128xf32, #tpu.memory_space<hbm>> -> memref<10x4x128xf32, #tpu.memory_space<hbm>>
        %dma_start3A_194 = arith.constant 0 : i32
        %dma_start3A_195 = arith.constant 0 : i32
        %dma_start3A_196 = tpu.memref_slice %arg6[%dma_start3A_184, %mul3A_142, %dma_start3A_194, %dma_start3A_195] : memref<3x12500x4x128xf32, #tpu.memory_space<hbm>> -> memref<1x10x4x128xf32, #tpu.memory_space<hbm>>
        %dma_start3A_197 = tpu.memref_squeeze %dma_start3A_196 : memref<1x10x4x128xf32, #tpu.memory_space<hbm>> -> memref<10x4x128xf32, #tpu.memory_space<hbm>>
        %dma_start3A_198 = arith.constant 0 : i32
        %dma_start3A_199 = arith.constant 0 : i32
        %dma_start3A_200 = arith.constant 0 : i32
        %dma_start3A_201 = tpu.memref_slice %arg25[%dma_start3A_183, %dma_start3A_198, %dma_start3A_199, %dma_start3A_200] : memref<3x10x4x128xf32, #tpu.memory_space<vmem>> -> memref<1x10x4x128xf32, #tpu.memory_space<vmem>>
        %dma_start3A_202 = tpu.memref_squeeze %dma_start3A_201 : memref<1x10x4x128xf32, #tpu.memory_space<vmem>> -> memref<10x4x128xf32, #tpu.memory_space<vmem>>
        tpu.enqueue_dma source(%dma_start3A_202 : memref<10x4x128xf32, #tpu.memory_space<vmem>>) target(%dma_start3A_197 : memref<10x4x128xf32, #tpu.memory_space<hbm>>) target_semaphore(%arg30 : memref<!tpu.dma_semaphore, #tpu.memory_space<semaphore_mem>>)
        %dma_start3A_203 = arith.constant 0 : i32
        %dma_start3A_204 = arith.constant 0 : i32
        %dma_start3A_205 = tpu.memref_slice %arg7[%mul3A_142, %dma_start3A_203, %dma_start3A_204] : memref<12500x4x128xf32, #tpu.memory_space<hbm>> -> memref<10x4x128xf32, #tpu.memory_space<hbm>>
        %dma_start3A_206 = arith.constant 0 : i32
        %dma_start3A_207 = arith.constant 0 : i32
        %dma_start3A_208 = tpu.memref_slice %arg7[%mul3A_142, %dma_start3A_206, %dma_start3A_207] : memref<12500x4x128xf32, #tpu.memory_space<hbm>> -> memref<10x4x128xf32, #tpu.memory_space<hbm>>
        tpu.enqueue_dma source(%arg26 : memref<10x4x128xf32, #tpu.memory_space<vmem>>) target(%dma_start3A_208 : memref<10x4x128xf32, #tpu.memory_space<hbm>>) target_semaphore(%arg30 : memref<!tpu.dma_semaphore, #tpu.memory_space<semaphore_mem>>)
        %dma_start3A_209 = arith.constant 0 : i32
        %dma_start3A_210 = arith.constant 0 : i32
        %dma_start3A_211 = tpu.memref_slice %arg8[%mul3A_142, %dma_start3A_209, %dma_start3A_210] : memref<12500x4x128xf32, #tpu.memory_space<hbm>> -> memref<10x4x128xf32, #tpu.memory_space<hbm>>
        %dma_start3A_212 = arith.constant 0 : i32
        %dma_start3A_213 = arith.constant 0 : i32
        %dma_start3A_214 = tpu.memref_slice %arg8[%mul3A_142, %dma_start3A_212, %dma_start3A_213] : memref<12500x4x128xf32, #tpu.memory_space<hbm>> -> memref<10x4x128xf32, #tpu.memory_space<hbm>>
        tpu.enqueue_dma source(%arg27 : memref<10x4x128xf32, #tpu.memory_space<vmem>>) target(%dma_start3A_214 : memref<10x4x128xf32, #tpu.memory_space<hbm>>) target_semaphore(%arg30 : memref<!tpu.dma_semaphore, #tpu.memory_space<semaphore_mem>>)
      } else {
      }
      %lt3A_117 = arith.constant 1250 : i32
      %lt3A_118 = arith.cmpi slt, %add3A_93, %lt3A_117 : i32
      %convert_element_type3A_119 = arith.extui %lt3A_118 : i1 to i32
      %cond3A_120 = arith.constant 0 : i32
      %cond3A_121 = arith.cmpi ne, %convert_element_type3A_119, %cond3A_120 : i32
      scf.if %cond3A_121 {
        %mul3A_122 = arith.constant 10 : i32
        %mul3A_123 = arith.muli %add3A_93, %mul3A_122 : i32
        %dma_wait3A_124 = arith.constant 1 : i32
        %dma_wait3A_125 = arith.constant 0 : i32
        %dma_wait3A_126 = tpu.memref_slice %arg3[%mul3A_123, %dma_wait3A_124, %dma_wait3A_125] : memref<12500x2x128xi32, #tpu.memory_space<hbm>> -> memref<10x1x128xi32, #tpu.memory_space<hbm>>
        %dma_wait3A_127 = tpu.memref_squeeze %dma_wait3A_126 : memref<10x1x128xi32, #tpu.memory_space<hbm>> -> memref<10x128xi32, #tpu.memory_space<hbm>>
        %dma_wait3A_128 = arith.constant 0 : i32
        %dma_wait3A_129 = tpu.memref_slice %arg3[%mul3A_123, %dma_wait3A_124, %dma_wait3A_128] : memref<12500x2x128xi32, #tpu.memory_space<hbm>> -> memref<10x1x128xi32, #tpu.memory_space<hbm>>
        %dma_wait3A_130 = tpu.memref_squeeze %dma_wait3A_129 : memref<10x1x128xi32, #tpu.memory_space<hbm>> -> memref<10x128xi32, #tpu.memory_space<hbm>>
        tpu.wait_dma2 semaphore(%arg17 : memref<!tpu.dma_semaphore, #tpu.memory_space<semaphore_mem>>) src(%dma_wait3A_130 : memref<10x128xi32, #tpu.memory_space<hbm>>) dst(%arg9 : memref<10x128xi32, #tpu.memory_space<vmem>>)
        %scan3A_131 = arith.constant 0 : i32
        %scan3A_132 = arith.constant 80 : i32
        %scan3A_133 = arith.addi %scan3A_131, %scan3A_132 : i32
        %scan3A_134 = arith.constant 1 : i32
        scf.for %scan3A_139 = %scan3A_131 to %scan3A_133 step %scan3A_134  : i32 {
          %jit3A = arith.constant 8 : i32
          %div3A = arith.divsi %scan3A_139, %jit3A : i32
          %sign3A = arith.constant 0 : i32
          %sign3A_140 = arith.cmpi sgt, %scan3A_139, %sign3A : i32
          %sign3A_141 = arith.extui %sign3A_140 : i1 to i32
          %sign3A_142 = arith.constant 0 : i32
          %sign3A_143 = arith.cmpi slt, %scan3A_139, %sign3A_142 : i32
          %sign3A_144 = arith.extui %sign3A_143 : i1 to i32
          %sign3A_145 = arith.subi %sign3A_141, %sign3A_144 : i32
          %sign3A_146 = arith.constant 0 : i32
          %sign3A_147 = arith.cmpi sgt, %jit3A, %sign3A_146 : i32
          %sign3A_148 = arith.extui %sign3A_147 : i1 to i32
          %sign3A_149 = arith.constant 0 : i32
          %sign3A_150 = arith.cmpi slt, %jit3A, %sign3A_149 : i32
          %sign3A_151 = arith.extui %sign3A_150 : i1 to i32
          %sign3A_152 = arith.subi %sign3A_148, %sign3A_151 : i32
          %ne3A = arith.cmpi ne, %sign3A_145, %sign3A_152 : i32
          %rem3A = arith.remsi %scan3A_139, %jit3A : i32
          %ne3A_153 = arith.constant 0 : i32
          %ne3A_154 = arith.cmpi ne, %rem3A, %ne3A_153 : i32
          %and3A_155 = arith.andi %ne3A, %ne3A_154 : i1
          %sub3A_156 = arith.constant 1 : i32
          %sub3A_157 = arith.subi %div3A, %sub3A_156 : i32
          %select_n3A = arith.select %and3A_155, %sub3A_157, %div3A : i32
          %jit3A_158 = arith.constant 8 : i32
          %eq3A = arith.constant 0 : i32
          %eq3A_159 = arith.cmpi eq, %jit3A_158, %eq3A : i32
          %jit3A_160 = arith.constant 1 : i32
          %select_n3A_161 = arith.select %eq3A_159, %jit3A_160, %jit3A_158 : i32
          %rem3A_162 = arith.remsi %scan3A_139, %select_n3A_161 : i32
          %ne3A_163 = arith.constant 0 : i32
          %ne3A_164 = arith.cmpi ne, %rem3A_162, %ne3A_163 : i32
          %lt3A_165 = arith.constant 0 : i32
          %lt3A_166 = arith.cmpi slt, %rem3A_162, %lt3A_165 : i32
          %lt3A_167 = arith.constant 0 : i32
          %lt3A_168 = arith.cmpi slt, %select_n3A_161, %lt3A_167 : i32
          %ne3A_169 = arith.xori %lt3A_166, %lt3A_168 : i1
          %and3A_170 = arith.andi %ne3A_169, %ne3A_164 : i1
          %add3A_171 = arith.addi %rem3A_162, %select_n3A_161 : i32
          %select_n3A_172 = arith.select %and3A_170, %add3A_171, %rem3A_162 : i32
          %mul3A_173 = arith.constant 16 : i32
          %mul3A_174 = arith.muli %select_n3A_172, %mul3A_173 : i32
          %get3A = arith.index_cast %select_n3A : i32 to index
          %get3A_175 = arith.index_cast %mul3A_174 : i32 to index
          %get3A_176 = tpu.vector_load %arg9[%get3A, %get3A_175] {strides = array<i32>} : memref<10x128xi32, #tpu.memory_space<vmem>>, vector<16xi32>,
          %mul3A_177 = arith.constant 16 : i32
          %mul3A_178 = arith.muli %scan3A_139, %mul3A_177 : i32
          %swap3A = arith.index_cast %mul3A_178 : i32 to index
          %swap3A_179 = tpu.vector_load %arg10[%swap3A] {strides = array<i32>} : memref<1280xi32, #tpu.memory_space<vmem>>, vector<16xi32>,
          tpu.vector_store %arg10[%swap3A], %get3A_176 {strides = array<i32>} : memref<1280xi32, #tpu.memory_space<vmem>>, vector<16xi32>,
        }
        %scan3A_135 = arith.constant 80 : i32
        %dma_start3A_136 = arith.constant 0 : i32
        %dma_start3A_137 = arith.constant 0 : i32
        %dma_start3A_138 = tpu.memref_slice %arg2[%dma_start3A_136, %dma_start3A_137] : memref<50000x16xf32, #tpu.memory_space<hbm>> -> memref<50000x16xf32, #tpu.memory_space<hbm>>
        tpu.enqueue_indirect_dma source(%dma_start3A_138 : memref<50000x16xf32, #tpu.memory_space<hbm>>) target(%arg11 : memref<1280x16xf32, #tpu.memory_space<vmem>>) offsets(%arg10 : memref<1280xi32, #tpu.memory_space<vmem>>) semaphore(%arg18 : memref<!tpu.dma_semaphore, #tpu.memory_space<semaphore_mem>>)
      } else {
      }
    }
    %scan3A_40 = arith.constant 20 : i32
    %add3A_41 = arith.constant 1216 : i32
    %add3A_42 = arith.addi %add3A_41, %add3A : i32
    %lt3A = arith.constant 1250 : i32
    %lt3A_43 = arith.cmpi slt, %add3A_42, %lt3A : i32
    %convert_element_type3A = arith.extui %lt3A_43 : i1 to i32
    %cond3A = arith.constant 0 : i32
    %cond3A_44 = arith.cmpi ne, %convert_element_type3A, %cond3A : i32
    scf.if %cond3A_44 {
      %mul3A_52 = arith.constant 10 : i32
      %mul3A_53 = arith.muli %add3A_42, %mul3A_52 : i32
      %dma_wait3A_54 = arith.constant 0 : i32
      %dma_wait3A_55 = arith.constant 0 : i32
      %dma_wait3A_56 = arith.constant 0 : i32
      %dma_wait3A_57 = arith.constant 0 : i32
      %dma_wait3A_58 = arith.constant 0 : i32
      %dma_wait3A_59 = tpu.memref_slice %arg14[%dma_wait3A_54, %dma_wait3A_56, %dma_wait3A_57, %dma_wait3A_58] : memref<3x10x4x128xf32, #tpu.memory_space<vmem>> -> memref<1x10x4x128xf32, #tpu.memory_space<vmem>>
      %dma_wait3A_60 = tpu.memref_squeeze %dma_wait3A_59 : memref<1x10x4x128xf32, #tpu.memory_space<vmem>> -> memref<10x4x128xf32, #tpu.memory_space<vmem>>
      %dma_wait3A_61 = arith.constant 0 : i32
      %dma_wait3A_62 = arith.constant 0 : i32
      %dma_wait3A_63 = tpu.memref_slice %arg6[%dma_wait3A_55, %mul3A_53, %dma_wait3A_61, %dma_wait3A_62] : memref<3x12500x4x128xf32, #tpu.memory_space<hbm>> -> memref<1x10x4x128xf32, #tpu.memory_space<hbm>>
      %dma_wait3A_64 = tpu.memref_squeeze %dma_wait3A_63 : memref<1x10x4x128xf32, #tpu.memory_space<hbm>> -> memref<10x4x128xf32, #tpu.memory_space<hbm>>
      %dma_wait3A_65 = arith.constant 0 : i32
      %dma_wait3A_66 = arith.constant 0 : i32
      %dma_wait3A_67 = tpu.memref_slice %arg6[%dma_wait3A_55, %mul3A_53, %dma_wait3A_65, %dma_wait3A_66] : memref<3x12500x4x128xf32, #tpu.memory_space<hbm>> -> memref<1x10x4x128xf32, #tpu.memory_space<hbm>>
      %dma_wait3A_68 = tpu.memref_squeeze %dma_wait3A_67 : memref<1x10x4x128xf32, #tpu.memory_space<hbm>> -> memref<10x4x128xf32, #tpu.memory_space<hbm>>
      %dma_wait3A_69 = arith.constant 0 : i32
      %dma_wait3A_70 = arith.constant 0 : i32
      %dma_wait3A_71 = arith.constant 0 : i32
      %dma_wait3A_72 = tpu.memref_slice %arg14[%dma_wait3A_54, %dma_wait3A_69, %dma_wait3A_70, %dma_wait3A_71] : memref<3x10x4x128xf32, #tpu.memory_space<vmem>> -> memref<1x10x4x128xf32, #tpu.memory_space<vmem>>
      %dma_wait3A_73 = tpu.memref_squeeze %dma_wait3A_72 : memref<1x10x4x128xf32, #tpu.memory_space<vmem>> -> memref<10x4x128xf32, #tpu.memory_space<vmem>>
      tpu.wait_dma2 semaphore(%arg19 : memref<!tpu.dma_semaphore, #tpu.memory_space<semaphore_mem>>) src(%dma_wait3A_73 : memref<10x4x128xf32, #tpu.memory_space<vmem>>) dst(%dma_wait3A_68 : memref<10x4x128xf32, #tpu.memory_space<hbm>>)
      %dma_wait3A_74 = arith.constant 1 : i32
      %dma_wait3A_75 = arith.constant 1 : i32
      %dma_wait3A_76 = arith.constant 0 : i32
      %dma_wait3A_77 = arith.constant 0 : i32
      %dma_wait3A_78 = arith.constant 0 : i32
      %dma_wait3A_79 = tpu.memref_slice %arg14[%dma_wait3A_74, %dma_wait3A_76, %dma_wait3A_77, %dma_wait3A_78] : memref<3x10x4x128xf32, #tpu.memory_space<vmem>> -> memref<1x10x4x128xf32, #tpu.memory_space<vmem>>
      %dma_wait3A_80 = tpu.memref_squeeze %dma_wait3A_79 : memref<1x10x4x128xf32, #tpu.memory_space<vmem>> -> memref<10x4x128xf32, #tpu.memory_space<vmem>>
      %dma_wait3A_81 = arith.constant 0 : i32
      %dma_wait3A_82 = arith.constant 0 : i32
      %dma_wait3A_83 = tpu.memref_slice %arg6[%dma_wait3A_75, %mul3A_53, %dma_wait3A_81, %dma_wait3A_82] : memref<3x12500x4x128xf32, #tpu.memory_space<hbm>> -> memref<1x10x4x128xf32, #tpu.memory_space<hbm>>
      %dma_wait3A_84 = tpu.memref_squeeze %dma_wait3A_83 : memref<1x10x4x128xf32, #tpu.memory_space<hbm>> -> memref<10x4x128xf32, #tpu.memory_space<hbm>>
      %dma_wait3A_85 = arith.constant 0 : i32
      %dma_wait3A_86 = arith.constant 0 : i32
      %dma_wait3A_87 = tpu.memref_slice %arg6[%dma_wait3A_75, %mul3A_53, %dma_wait3A_85, %dma_wait3A_86] : memref<3x12500x4x128xf32, #tpu.memory_space<hbm>> -> memref<1x10x4x128xf32, #tpu.memory_space<hbm>>
      %dma_wait3A_88 = tpu.memref_squeeze %dma_wait3A_87 : memref<1x10x4x128xf32, #tpu.memory_space<hbm>> -> memref<10x4x128xf32, #tpu.memory_space<hbm>>
      %dma_wait3A_89 = arith.constant 0 : i32
      %dma_wait3A_90 = arith.constant 0 : i32
      %dma_wait3A_91 = arith.constant 0 : i32
      %dma_wait3A_92 = tpu.memref_slice %arg14[%dma_wait3A_74, %dma_wait3A_89, %dma_wait3A_90, %dma_wait3A_91] : memref<3x10x4x128xf32, #tpu.memory_space<vmem>> -> memref<1x10x4x128xf32, #tpu.memory_space<vmem>>
      %dma_wait3A_93 = tpu.memref_squeeze %dma_wait3A_92 : memref<1x10x4x128xf32, #tpu.memory_space<vmem>> -> memref<10x4x128xf32, #tpu.memory_space<vmem>>
      tpu.wait_dma2 semaphore(%arg19 : memref<!tpu.dma_semaphore, #tpu.memory_space<semaphore_mem>>) src(%dma_wait3A_93 : memref<10x4x128xf32, #tpu.memory_space<vmem>>) dst(%dma_wait3A_88 : memref<10x4x128xf32, #tpu.memory_space<hbm>>)
      %dma_wait3A_94 = arith.constant 2 : i32
      %dma_wait3A_95 = arith.constant 2 : i32
      %dma_wait3A_96 = arith.constant 0 : i32
      %dma_wait3A_97 = arith.constant 0 : i32
      %dma_wait3A_98 = arith.constant 0 : i32
      %dma_wait3A_99 = tpu.memref_slice %arg14[%dma_wait3A_94, %dma_wait3A_96, %dma_wait3A_97, %dma_wait3A_98] : memref<3x10x4x128xf32, #tpu.memory_space<vmem>> -> memref<1x10x4x128xf32, #tpu.memory_space<vmem>>
      %dma_wait3A_100 = tpu.memref_squeeze %dma_wait3A_99 : memref<1x10x4x128xf32, #tpu.memory_space<vmem>> -> memref<10x4x128xf32, #tpu.memory_space<vmem>>
      %dma_wait3A_101 = arith.constant 0 : i32
      %dma_wait3A_102 = arith.constant 0 : i32
      %dma_wait3A_103 = tpu.memref_slice %arg6[%dma_wait3A_95, %mul3A_53, %dma_wait3A_101, %dma_wait3A_102] : memref<3x12500x4x128xf32, #tpu.memory_space<hbm>> -> memref<1x10x4x128xf32, #tpu.memory_space<hbm>>
      %dma_wait3A_104 = tpu.memref_squeeze %dma_wait3A_103 : memref<1x10x4x128xf32, #tpu.memory_space<hbm>> -> memref<10x4x128xf32, #tpu.memory_space<hbm>>
      %dma_wait3A_105 = arith.constant 0 : i32
      %dma_wait3A_106 = arith.constant 0 : i32
      %dma_wait3A_107 = tpu.memref_slice %arg6[%dma_wait3A_95, %mul3A_53, %dma_wait3A_105, %dma_wait3A_106] : memref<3x12500x4x128xf32, #tpu.memory_space<hbm>> -> memref<1x10x4x128xf32, #tpu.memory_space<hbm>>
      %dma_wait3A_108 = tpu.memref_squeeze %dma_wait3A_107 : memref<1x10x4x128xf32, #tpu.memory_space<hbm>> -> memref<10x4x128xf32, #tpu.memory_space<hbm>>
      %dma_wait3A_109 = arith.constant 0 : i32
      %dma_wait3A_110 = arith.constant 0 : i32
      %dma_wait3A_111 = arith.constant 0 : i32
      %dma_wait3A_112 = tpu.memref_slice %arg14[%dma_wait3A_94, %dma_wait3A_109, %dma_wait3A_110, %dma_wait3A_111] : memref<3x10x4x128xf32, #tpu.memory_space<vmem>> -> memref<1x10x4x128xf32, #tpu.memory_space<vmem>>
      %dma_wait3A_113 = tpu.memref_squeeze %dma_wait3A_112 : memref<1x10x4x128xf32, #tpu.memory_space<vmem>> -> memref<10x4x128xf32, #tpu.memory_space<vmem>>
      tpu.wait_dma2 semaphore(%arg19 : memref<!tpu.dma_semaphore, #tpu.memory_space<semaphore_mem>>) src(%dma_wait3A_113 : memref<10x4x128xf32, #tpu.memory_space<vmem>>) dst(%dma_wait3A_108 : memref<10x4x128xf32, #tpu.memory_space<hbm>>)
      %dma_wait3A_114 = arith.constant 0 : i32
      %dma_wait3A_115 = arith.constant 0 : i32
      %dma_wait3A_116 = tpu.memref_slice %arg7[%mul3A_53, %dma_wait3A_114, %dma_wait3A_115] : memref<12500x4x128xf32, #tpu.memory_space<hbm>> -> memref<10x4x128xf32, #tpu.memory_space<hbm>>
      %dma_wait3A_117 = arith.constant 0 : i32
      %dma_wait3A_118 = arith.constant 0 : i32
      %dma_wait3A_119 = tpu.memref_slice %arg7[%mul3A_53, %dma_wait3A_117, %dma_wait3A_118] : memref<12500x4x128xf32, #tpu.memory_space<hbm>> -> memref<10x4x128xf32, #tpu.memory_space<hbm>>
      tpu.wait_dma2 semaphore(%arg19 : memref<!tpu.dma_semaphore, #tpu.memory_space<semaphore_mem>>) src(%arg15 : memref<10x4x128xf32, #tpu.memory_space<vmem>>) dst(%dma_wait3A_119 : memref<10x4x128xf32, #tpu.memory_space<hbm>>)
      %dma_wait3A_120 = arith.constant 0 : i32
      %dma_wait3A_121 = arith.constant 0 : i32
      %dma_wait3A_122 = tpu.memref_slice %arg8[%mul3A_53, %dma_wait3A_120, %dma_wait3A_121] : memref<12500x4x128xf32, #tpu.memory_space<hbm>> -> memref<10x4x128xf32, #tpu.memory_space<hbm>>
      %dma_wait3A_123 = arith.constant 0 : i32
      %dma_wait3A_124 = arith.constant 0 : i32
      %dma_wait3A_125 = tpu.memref_slice %arg8[%mul3A_53, %dma_wait3A_123, %dma_wait3A_124] : memref<12500x4x128xf32, #tpu.memory_space<hbm>> -> memref<10x4x128xf32, #tpu.memory_space<hbm>>
      tpu.wait_dma2 semaphore(%arg19 : memref<!tpu.dma_semaphore, #tpu.memory_space<semaphore_mem>>) src(%arg16 : memref<10x4x128xf32, #tpu.memory_space<vmem>>) dst(%dma_wait3A_125 : memref<10x4x128xf32, #tpu.memory_space<hbm>>)
    } else {
    }
    %add3A_45 = arith.constant 1248 : i32
    %add3A_46 = arith.addi %add3A_45, %add3A : i32
    %lt3A_47 = arith.constant 1250 : i32
    %lt3A_48 = arith.cmpi slt, %add3A_46, %lt3A_47 : i32
    %convert_element_type3A_49 = arith.extui %lt3A_48 : i1 to i32
    %cond3A_50 = arith.constant 0 : i32
    %cond3A_51 = arith.cmpi ne, %convert_element_type3A_49, %cond3A_50 : i32
    scf.if %cond3A_51 {
      %mul3A_52 = arith.constant 10 : i32
      %mul3A_53 = arith.muli %add3A_46, %mul3A_52 : i32
      %dma_wait3A_54 = arith.constant 0 : i32
      %dma_wait3A_55 = arith.constant 0 : i32
      %dma_wait3A_56 = arith.constant 0 : i32
      %dma_wait3A_57 = arith.constant 0 : i32
      %dma_wait3A_58 = arith.constant 0 : i32
      %dma_wait3A_59 = tpu.memref_slice %arg25[%dma_wait3A_54, %dma_wait3A_56, %dma_wait3A_57, %dma_wait3A_58] : memref<3x10x4x128xf32, #tpu.memory_space<vmem>> -> memref<1x10x4x128xf32, #tpu.memory_space<vmem>>
      %dma_wait3A_60 = tpu.memref_squeeze %dma_wait3A_59 : memref<1x10x4x128xf32, #tpu.memory_space<vmem>> -> memref<10x4x128xf32, #tpu.memory_space<vmem>>
      %dma_wait3A_61 = arith.constant 0 : i32
      %dma_wait3A_62 = arith.constant 0 : i32
      %dma_wait3A_63 = tpu.memref_slice %arg6[%dma_wait3A_55, %mul3A_53, %dma_wait3A_61, %dma_wait3A_62] : memref<3x12500x4x128xf32, #tpu.memory_space<hbm>> -> memref<1x10x4x128xf32, #tpu.memory_space<hbm>>
      %dma_wait3A_64 = tpu.memref_squeeze %dma_wait3A_63 : memref<1x10x4x128xf32, #tpu.memory_space<hbm>> -> memref<10x4x128xf32, #tpu.memory_space<hbm>>
      %dma_wait3A_65 = arith.constant 0 : i32
      %dma_wait3A_66 = arith.constant 0 : i32
      %dma_wait3A_67 = tpu.memref_slice %arg6[%dma_wait3A_55, %mul3A_53, %dma_wait3A_65, %dma_wait3A_66] : memref<3x12500x4x128xf32, #tpu.memory_space<hbm>> -> memref<1x10x4x128xf32, #tpu.memory_space<hbm>>
      %dma_wait3A_68 = tpu.memref_squeeze %dma_wait3A_67 : memref<1x10x4x128xf32, #tpu.memory_space<hbm>> -> memref<10x4x128xf32, #tpu.memory_space<hbm>>
      %dma_wait3A_69 = arith.constant 0 : i32
      %dma_wait3A_70 = arith.constant 0 : i32
      %dma_wait3A_71 = arith.constant 0 : i32
      %dma_wait3A_72 = tpu.memref_slice %arg25[%dma_wait3A_54, %dma_wait3A_69, %dma_wait3A_70, %dma_wait3A_71] : memref<3x10x4x128xf32, #tpu.memory_space<vmem>> -> memref<1x10x4x128xf32, #tpu.memory_space<vmem>>
      %dma_wait3A_73 = tpu.memref_squeeze %dma_wait3A_72 : memref<1x10x4x128xf32, #tpu.memory_space<vmem>> -> memref<10x4x128xf32, #tpu.memory_space<vmem>>
      tpu.wait_dma2 semaphore(%arg30 : memref<!tpu.dma_semaphore, #tpu.memory_space<semaphore_mem>>) src(%dma_wait3A_73 : memref<10x4x128xf32, #tpu.memory_space<vmem>>) dst(%dma_wait3A_68 : memref<10x4x128xf32, #tpu.memory_space<hbm>>)
      %dma_wait3A_74 = arith.constant 1 : i32
      %dma_wait3A_75 = arith.constant 1 : i32
      %dma_wait3A_76 = arith.constant 0 : i32
      %dma_wait3A_77 = arith.constant 0 : i32
      %dma_wait3A_78 = arith.constant 0 : i32
      %dma_wait3A_79 = tpu.memref_slice %arg25[%dma_wait3A_74, %dma_wait3A_76, %dma_wait3A_77, %dma_wait3A_78] : memref<3x10x4x128xf32, #tpu.memory_space<vmem>> -> memref<1x10x4x128xf32, #tpu.memory_space<vmem>>
      %dma_wait3A_80 = tpu.memref_squeeze %dma_wait3A_79 : memref<1x10x4x128xf32, #tpu.memory_space<vmem>> -> memref<10x4x128xf32, #tpu.memory_space<vmem>>
      %dma_wait3A_81 = arith.constant 0 : i32
      %dma_wait3A_82 = arith.constant 0 : i32
      %dma_wait3A_83 = tpu.memref_slice %arg6[%dma_wait3A_75, %mul3A_53, %dma_wait3A_81, %dma_wait3A_82] : memref<3x12500x4x128xf32, #tpu.memory_space<hbm>> -> memref<1x10x4x128xf32, #tpu.memory_space<hbm>>
      %dma_wait3A_84 = tpu.memref_squeeze %dma_wait3A_83 : memref<1x10x4x128xf32, #tpu.memory_space<hbm>> -> memref<10x4x128xf32, #tpu.memory_space<hbm>>
      %dma_wait3A_85 = arith.constant 0 : i32
      %dma_wait3A_86 = arith.constant 0 : i32
      %dma_wait3A_87 = tpu.memref_slice %arg6[%dma_wait3A_75, %mul3A_53, %dma_wait3A_85, %dma_wait3A_86] : memref<3x12500x4x128xf32, #tpu.memory_space<hbm>> -> memref<1x10x4x128xf32, #tpu.memory_space<hbm>>
      %dma_wait3A_88 = tpu.memref_squeeze %dma_wait3A_87 : memref<1x10x4x128xf32, #tpu.memory_space<hbm>> -> memref<10x4x128xf32, #tpu.memory_space<hbm>>
      %dma_wait3A_89 = arith.constant 0 : i32
      %dma_wait3A_90 = arith.constant 0 : i32
      %dma_wait3A_91 = arith.constant 0 : i32
      %dma_wait3A_92 = tpu.memref_slice %arg25[%dma_wait3A_74, %dma_wait3A_89, %dma_wait3A_90, %dma_wait3A_91] : memref<3x10x4x128xf32, #tpu.memory_space<vmem>> -> memref<1x10x4x128xf32, #tpu.memory_space<vmem>>
      %dma_wait3A_93 = tpu.memref_squeeze %dma_wait3A_92 : memref<1x10x4x128xf32, #tpu.memory_space<vmem>> -> memref<10x4x128xf32, #tpu.memory_space<vmem>>
      tpu.wait_dma2 semaphore(%arg30 : memref<!tpu.dma_semaphore, #tpu.memory_space<semaphore_mem>>) src(%dma_wait3A_93 : memref<10x4x128xf32, #tpu.memory_space<vmem>>) dst(%dma_wait3A_88 : memref<10x4x128xf32, #tpu.memory_space<hbm>>)
      %dma_wait3A_94 = arith.constant 2 : i32
      %dma_wait3A_95 = arith.constant 2 : i32
      %dma_wait3A_96 = arith.constant 0 : i32
      %dma_wait3A_97 = arith.constant 0 : i32
      %dma_wait3A_98 = arith.constant 0 : i32
      %dma_wait3A_99 = tpu.memref_slice %arg25[%dma_wait3A_94, %dma_wait3A_96, %dma_wait3A_97, %dma_wait3A_98] : memref<3x10x4x128xf32, #tpu.memory_space<vmem>> -> memref<1x10x4x128xf32, #tpu.memory_space<vmem>>
      %dma_wait3A_100 = tpu.memref_squeeze %dma_wait3A_99 : memref<1x10x4x128xf32, #tpu.memory_space<vmem>> -> memref<10x4x128xf32, #tpu.memory_space<vmem>>
      %dma_wait3A_101 = arith.constant 0 : i32
      %dma_wait3A_102 = arith.constant 0 : i32
      %dma_wait3A_103 = tpu.memref_slice %arg6[%dma_wait3A_95, %mul3A_53, %dma_wait3A_101, %dma_wait3A_102] : memref<3x12500x4x128xf32, #tpu.memory_space<hbm>> -> memref<1x10x4x128xf32, #tpu.memory_space<hbm>>
      %dma_wait3A_104 = tpu.memref_squeeze %dma_wait3A_103 : memref<1x10x4x128xf32, #tpu.memory_space<hbm>> -> memref<10x4x128xf32, #tpu.memory_space<hbm>>
      %dma_wait3A_105 = arith.constant 0 : i32
      %dma_wait3A_106 = arith.constant 0 : i32
      %dma_wait3A_107 = tpu.memref_slice %arg6[%dma_wait3A_95, %mul3A_53, %dma_wait3A_105, %dma_wait3A_106] : memref<3x12500x4x128xf32, #tpu.memory_space<hbm>> -> memref<1x10x4x128xf32, #tpu.memory_space<hbm>>
      %dma_wait3A_108 = tpu.memref_squeeze %dma_wait3A_107 : memref<1x10x4x128xf32, #tpu.memory_space<hbm>> -> memref<10x4x128xf32, #tpu.memory_space<hbm>>
      %dma_wait3A_109 = arith.constant 0 : i32
      %dma_wait3A_110 = arith.constant 0 : i32
      %dma_wait3A_111 = arith.constant 0 : i32
      %dma_wait3A_112 = tpu.memref_slice %arg25[%dma_wait3A_94, %dma_wait3A_109, %dma_wait3A_110, %dma_wait3A_111] : memref<3x10x4x128xf32, #tpu.memory_space<vmem>> -> memref<1x10x4x128xf32, #tpu.memory_space<vmem>>
      %dma_wait3A_113 = tpu.memref_squeeze %dma_wait3A_112 : memref<1x10x4x128xf32, #tpu.memory_space<vmem>> -> memref<10x4x128xf32, #tpu.memory_space<vmem>>
      tpu.wait_dma2 semaphore(%arg30 : memref<!tpu.dma_semaphore, #tpu.memory_space<semaphore_mem>>) src(%dma_wait3A_113 : memref<10x4x128xf32, #tpu.memory_space<vmem>>) dst(%dma_wait3A_108 : memref<10x4x128xf32, #tpu.memory_space<hbm>>)
      %dma_wait3A_114 = arith.constant 0 : i32
      %dma_wait3A_115 = arith.constant 0 : i32
      %dma_wait3A_116 = tpu.memref_slice %arg7[%mul3A_53, %dma_wait3A_114, %dma_wait3A_115] : memref<12500x4x128xf32, #tpu.memory_space<hbm>> -> memref<10x4x128xf32, #tpu.memory_space<hbm>>
      %dma_wait3A_117 = arith.constant 0 : i32
      %dma_wait3A_118 = arith.constant 0 : i32
      %dma_wait3A_119 = tpu.memref_slice %arg7[%mul3A_53, %dma_wait3A_117, %dma_wait3A_118] : memref<12500x4x128xf32, #tpu.memory_space<hbm>> -> memref<10x4x128xf32, #tpu.memory_space<hbm>>
      tpu.wait_dma2 semaphore(%arg30 : memref<!tpu.dma_semaphore, #tpu.memory_space<semaphore_mem>>) src(%arg26 : memref<10x4x128xf32, #tpu.memory_space<vmem>>) dst(%dma_wait3A_119 : memref<10x4x128xf32, #tpu.memory_space<hbm>>)
      %dma_wait3A_120 = arith.constant 0 : i32
      %dma_wait3A_121 = arith.constant 0 : i32
      %dma_wait3A_122 = tpu.memref_slice %arg8[%mul3A_53, %dma_wait3A_120, %dma_wait3A_121] : memref<12500x4x128xf32, #tpu.memory_space<hbm>> -> memref<10x4x128xf32, #tpu.memory_space<hbm>>
      %dma_wait3A_123 = arith.constant 0 : i32
      %dma_wait3A_124 = arith.constant 0 : i32
      %dma_wait3A_125 = tpu.memref_slice %arg8[%mul3A_53, %dma_wait3A_123, %dma_wait3A_124] : memref<12500x4x128xf32, #tpu.memory_space<hbm>> -> memref<10x4x128xf32, #tpu.memory_space<hbm>>
      tpu.wait_dma2 semaphore(%arg30 : memref<!tpu.dma_semaphore, #tpu.memory_space<semaphore_mem>>) src(%arg27 : memref<10x4x128xf32, #tpu.memory_space<vmem>>) dst(%dma_wait3A_125 : memref<10x4x128xf32, #tpu.memory_space<hbm>>)
    } else {
    }
    return
  }
}

</mosaic_0001>

<sc_bundles>
// kernel: kernel.3.cloned.1.call-start
scs
__scs_entry_jumppad:
0x0: {  	(pc) =	sbr.rel $0x88, $3  }
0x1: {  	(tag) =	ssettag $0x0;
	lr =	simm.s32 $0x1  }
0x2: {  	[smem:$0x3F9B] =	sst lr;
	_ =	strace $0xD0000000  }
0x3: {  	_ = 	snop  }
0x4: {  	_ = 	snop  }
0x5: {  	_ = 	snop  }
0x6: {  	_ = 	snop  }
0x7: {  	_ = 	snop  }
__scs_overlays_trampoline_lowered:
0x8: {  	[smem:$0x3FAA] =	sst s0  }
0x9: {  	[smem:$0x3FAB] =	sst s1  }
0xa: {  	[smem:$0x3FAC] =	sst s2  }
0xb: {  	[smem:$0x3FAD] =	sst s3  }
0xc: {  	[smem:$0x3FAE] =	sst s4  }
0xd: {  	[smem:$0x3FAF] =	sst s5  }
0xe: {  	[smem:$0x3FB0] =	sst s6  }
0xf: {  	[smem:$0x3FB1] =	sst s7  }
0x10: {  	[smem:$0x3FB2] =	sst s8  }
0x11: {  	[smem:$0x3FB3] =	sst s9;
	s0 =	simm.s32 @!p0 $0x0  }
0x12: {  	s1 =	sld [smem:$0x3F99];
	s0 =	simm.s32 @p0 $0x1  }
0x13: {  	[smem:$0x3FB4] =	sst s0;
	s0 =	simm.s32 @!p1 $0x0  }
0x14: {  	s2 =	sld [smem:$0x3F98];
	s0 =	simm.s32 @p1 $0x1  }
0x15: {  	[smem:$0x3FB5] =	sst s0;
	s0 =	simm.s32 @!p2 $0x0  }
0x16: {  	s3 =	sld [smem:$0x3FDB];
	s0 =	simm.s32 @p2 $0x1  }
0x17: {  	s4 =	simm.s32 $0x1BF5;
	[smem:$0x3FB7] =	sst s0  }
0x18: {  	s0 =	sld [smem:$0x3F9A];
	_ =	swait.ge [sflag:s4], $0x0  }
0x19: {  	s7 =	sld [smem:$0x3F9B]  }
0x1a: {  	s8 =	sadd.s32 $0xFFFFE003, lr  }
0x1b: {  	s9 =	sadd.s32 $0xFFFFFEF7, lr;
	s5 =	simm.s32 $0xFFFFFFFF;
	p2 =	slt.u32 s8, $0xFFFFF086  }
0x1c: {  	p1 =	slt.u32 s9, $0xF7A;
	s5 =	simm.s32 @!p2 $0x0  }
0x1d: {  	s5 =	simm.s32 @p1 $0x1;
	p0 =	seq.s32 s7, s2  }
0x1e: {  	s7 =	smul.u32 @!p0 $0xF7A, s2;
	p2 =	seq.s32 @!p0 s5, $0x0  }
0x1f: {  	s9 =	smul.u32 $0xF7A, s1;
	s8 =	simm.s32 @!p0 $0x1BF5;
	p2 =	por !p2, p0  }
0x20: {  	[sflag:s8] =	ssyncset.s32 @!p0 $0xFFFFF086;
	s6 =	sadd.s32 @!p0 s3, s7;
	s7 =	simm.s32 @!p0 $0x108  }
0x21: {  	s3 =	sadd.s32 s3, s9;
	s6 =	sadd.s32 @!p0 $0x88, s6;
	s7 =	simm.s32 @p2 $0x1082  }
0x22: {  	[simem:s7], [sflag:s8] =	dma.local @!p0 [hbm:s6], $0xF7A  }
0x23: {  	s9 =	sor.u32 $0xD0000000, s2;
	s6 =	simm.s32 $0x108;
	_ =	swait.ge @!p0 [sflag:s8], $0x0  }
0x24: {  	s3 =	sadd.s32 $0x88, s3;
	s6 =	simm.s32 @!p1 $0x1082;
	[sflag:s4] =	ssyncset.s32 $0xFFFFF086  }
0x25: {  	[simem:s6], [sflag:s4] =	dma.local [hbm:s3], $0xF7A  }
0x26: {  	[smem:$0x3F9B] =	sst s1;
	(tag) =	ssettag s2;
	_ =	strace s9  }
0x27: {  	s1 =	sld [smem:$0x3FAB]  }
0x28: {  	s2 =	sld [smem:$0x3FAC]  }
0x29: {  	s4 =	sld [smem:$0x3FAE]  }
0x2a: {  	p0 =	seq.s32 s5, $0x0;
	s5 =	sld [smem:$0x3FAF]  }
0x2b: {  	s6 =	sld [smem:$0x3FB0]  }
0x2c: {  	s7 =	sld [smem:$0x3FB1]  }
0x2d: {  	s3 =	simm.s32 $0x108;
	s8 =	sld [smem:$0x3FB2]  }
0x2e: {  	s3 =	simm.s32 @!p0 $0x1082;
	s9 =	sld [smem:$0x3FB3]  }
0x2f: {  	lr =	sadd.s32 s0, s3;
	s0 =	sld [smem:$0x3FAA]  }
0x30: {  	s3 =	sld [smem:$0x3FAD]  }
0x31: {  	[smem:$0x3FB6] =	sst s10  }
0x32: {  	s10 =	sld [smem:$0x3FB4];
	_ =	sdelay $0x3  }
0x33: {  	p0 =	seq.s32 s10, $0x1;
	s10 =	sld [smem:$0x3FB6];
	_ =	sdelay $0x3  }
0x34: {  	[smem:$0x3FB6] =	sst s10  }
0x35: {  	s10 =	sld [smem:$0x3FB5];
	_ =	sdelay $0x3  }
0x36: {  	p1 =	seq.s32 s10, $0x1;
	s10 =	sld [smem:$0x3FB6];
	_ =	sdelay $0x3  }
0x37: {  	[smem:$0x3FB6] =	sst s10  }
0x38: {  	s10 =	sld [smem:$0x3FB7]  }
0x39: {  	_ = 	snop;
	(pc) =	sbr.ind lr, $3  }
0x3a: {  	_ = 	snop  }
0x3b: {  	_ = 	snop  }
0x3c: {  	p2 =	seq.s32 s10, $0x1;
	s10 =	sld [smem:$0x3FB6]  }
0x3d: {  	_ =	shalt  }
0x3e: {  	_ =	shalt  }
0x3f: {  	_ =	shalt  }
0x40: {  	_ =	shalt  }
0x41: {  	_ =	shalt  }
0x42: {  	_ =	shalt  }
0x43: {  	_ =	shalt  }
0x44: {  	_ =	shalt  }
0x45: {  	_ =	shalt  }
0x46: {  	_ =	shalt  }
0x47: {  	_ =	shalt  }
0x48: {  	_ =	shalt  }
0x49: {  	_ =	shalt  }
0x4a: {  	_ =	shalt  }
0x4b: {  	_ =	shalt  }
0x4c: {  	_ =	shalt  }
0x4d: {  	_ =	shalt  }
0x4e: {  	_ =	shalt  }
0x4f: {  	_ =	shalt  }
0x50: {  	_ =	shalt  }
0x51: {  	_ =	shalt  }
0x52: {  	_ =	shalt  }
0x53: {  	_ =	shalt  }
0x54: {  	_ =	shalt  }
0x55: {  	_ =	shalt  }
0x56: {  	_ =	shalt  }
0x57: {  	_ =	shalt  }
0x58: {  	_ =	shalt  }
0x59: {  	_ =	shalt  }
0x5a: {  	_ =	shalt  }
0x5b: {  	_ =	shalt  }
0x5c: {  	_ =	shalt  }
0x5d: {  	_ =	shalt  }
0x5e: {  	_ =	shalt  }
0x5f: {  	_ =	shalt  }
0x60: {  	_ =	shalt  }
0x61: {  	_ =	shalt  }
0x62: {  	_ =	shalt  }
0x63: {  	_ =	shalt  }
0x64: {  	_ =	shalt  }
0x65: {  	_ =	shalt  }
0x66: {  	_ =	shalt  }
0x67: {  	_ =	shalt  }
0x68: {  	_ =	shalt  }
0x69: {  	_ =	shalt  }
0x6a: {  	_ =	shalt  }
0x6b: {  	_ =	shalt  }
0x6c: {  	_ =	shalt  }
0x6d: {  	_ =	shalt  }
0x6e: {  	_ =	shalt  }
0x6f: {  	_ =	shalt  }
0x70: {  	_ =	shalt  }
0x71: {  	_ =	shalt  }
0x72: {  	_ =	shalt  }
0x73: {  	_ =	shalt  }
0x74: {  	_ =	shalt  }
0x75: {  	_ =	shalt  }
0x76: {  	_ =	shalt  }
0x77: {  	_ =	shalt  }
0x78: {  	_ =	shalt  }
0x79: {  	_ =	shalt  }
0x7a: {  	_ =	shalt  }
0x7b: {  	_ =	shalt  }
0x7c: {  	_ =	shalt  }
0x7d: {  	_ =	shalt  }
0x7e: {  	_ =	shalt  }
0x7f: {  	_ =	shalt  }
0x80: {  	_ =	shalt  }
0x81: {  	_ =	shalt  }
0x82: {  	_ =	shalt  }
0x83: {  	_ =	shalt  }
0x84: {  	_ =	shalt  }
0x85: {  	_ =	shalt  }
0x86: {  	_ =	shalt  }
0x87: {  	_ =	shalt  }
.Lfunc_end0:
.L_simem_size_0:
called_computation_lowered:
.L_overlay_start_0:
0x88: {  	s2 =	sld [smem:$0x3FD9]  }
0x89: {  	s3 =	sld [smem:$0x3FFE];
	_ =	sdelay $0x1  }
0x8a: {  	s1 =	srdreg.scid  }
0x8b: {  	s0 =	sand.u32 $0x1, s1  }
0x8c: {  	s14 =	sshll.u32 s0, $0xA;
	s2 =	sadd.s32 s3, s2  }
0x8d: {  	s2 =	sadd.s32 s2, s14  }
0x8e: {  	[smem:$0x3FC2] =	sst s2  }
0x8f: {  	_ = 	snop  }
0x90: {  	s2 =	sld [smem:$0x3FD0];
	_ =	sdelay $0x2  }
0x91: {  	s4 =	simm.s32 $0xA;
	s5 =	simm.s32 $0x10;
	s15 =	sld [smem:$0x3FC4]  }
0x92: {  	[smem:s5], [sflag:s4] =	dma.local [hbm:s2], $0x1  }
0x93: {  	_ =	swait.eq [sflag:s4], $0x1  }
0x94: {  	s16 =	sld [smem:$0x10];
	[sflag:s4] =	ssyncset.done $0x0  }
0x95: {  	s17 =	sld [smem:$0x11];
	[sflag:s4] =	ssyncadd.s32 $0xFFFFFFFF  }
0x96: {  	s18 =	sld [smem:$0x12];
	(tm) =	ssettm $0x1  }
0x97: {  	s6 =	sld [smem:$0x3FFB];
	_ =	sdelay $0x3  }
0x98: {  	_ =	strace s6  }
0x99: {  	s6 =	sld [smem:$0x3FFC];
	_ =	sdelay $0x3  }
0x9a: {  	_ =	strace s6  }
0x9b: {  	s6 =	sld [smem:$0x3FFD];
	_ =	sdelay $0x3  }
0x9c: {  	_ =	strace s6  }
0x9d: {  	_ =	strace $0x8FFFFFFF  }
0x9e: {  	s19 =	sld [smem:$0x3FDB];
	_ =	sdelay $0x1  }
0x9f: {  	s7 =	simm.s32 $_scs_section_size  }
0xa0: {  	s8 =	simm.s32 $_size__tile_overlayer_lowered;
	s9 =	simm.s32 $_tile_overlayer_lowered  }
0xa1: {  	s22 =	simm.s32 $0x1BFF;
	s21 =	sshll.u32 s9, $0x1;
	s6 =	sadd.s32 s7, s19  }
0xa2: {  	s10 =	simm.s32 $0x0;
	s20 =	sshll.u32 s8, $0x1;
	s8 =	sadd.s32 s21, s6  }
0xa3: {  	[timem:s10], [sflag:s22] =	dma.local [hbm:s8], s20  }
0xa4: {  	_ =	swait.ge [sflag:s22], s20  }
0xa5: {  	s7 =	ssub.s32 $0x0, s20;
	[sflag:s22] =	ssyncset.done $0x0  }
0xa6: {  	[sflag:s22] =	ssyncadd.s32 s7;
	_ =	sdelay $0x1  }
0xa7: {  	s23 =	simm.s32 $0x1B8B  }
0xa8: {  	_ =	swait.ge [sflag:s23], $0x1  }
0xa9: {  	[sflag:s23] =	ssyncset.done $0x0  }
0xaa: {  	s25 =	simm.s32 $0x1B8E;
	s24 =	sld [smem:$0x3FFE];
	[sflag:s23] =	ssyncadd.s32 $0xFFFFFFFF  }
0xab: {  	s26 =	simm.s32 $execute0_lowered;
	[smem:$0x3FD2] =	sst s25  }
0xac: {  	s8 =	sshll.u32 s26, $0x1;
	_ =	strace $0x80000046;
	[dreg:$0x1] =	wrdreg $0xFFFFFFFF  }
0xad: {  	s28 =	simm.s32 $_size_execute0_lowered;
	s6 =	sadd.s32 s6, s8;
	[dreg:$0x0] =	wrdreg $0x0  }
0xae: {  	s8 =	sshll.u32 s28, $0x1;
	[dreg:$0x2] =	wrdreg s6  }
0xaf: {  	[dreg:$0x3] =	wrdreg s8  }
0xb0: {  	[dreg:$0x4] =	wrdreg $0xC0  }
0xb1: {  	_ =	task [dreg:s10], $0x5FFFF  }
0xb2: {  	[dreg:$0x1] =	wrdreg $0xFFFFFFFF  }
0xb3: {  	[dreg:$0x0] =	wrdreg $0x60  }
0xb4: {  	[dreg:$0x2] =	wrdreg s24  }
0xb5: {  	[dreg:$0x3] =	wrdreg s15  }
0xb6: {  	[dreg:$0x4] =	wrdreg s18  }
0xb7: {  	[dreg:$0x5] =	wrdreg s16  }
0xb8: {  	[dreg:$0x6] =	wrdreg s17  }
0xb9: {  	[dreg:$0x7] =	wrdreg $0x9  }
0xba: {  	_ =	task.clear_ibuf [dreg:s10], $0x8FFFF;
	_ =	strace $0x90000046  }
0xbb: {  	s29 =	simm.s32 $0x9;
	_ =	strace $0x80000048  }
0xbc: {  	_ =	swait.ge [sflag:s29], $0x1  }
0xbd: {  	[sflag:s29] =	ssyncadd.s32 $0xFFFFFFFF  }
0xbe: {  	_ =	strace $0x90000048  }
0xbf: {  	_ =	sfence  }
0xc0: {  	s30 =	sld [smem:$0x0];
	_ =	sdelay $0x2  }
0xc1: {  	s31 =	sshll.u32 s1, $0xD;
	s1 =	sshrl.u32 s1, $0x2  }
0xc2: {  	s3 =	sand.u32 $0x4000, s31;
	s1 =	sadd.s32 s1, s30  }
0xc3: {  	s0 =	sor.u32 s3, s0;
	s1 =	sshll.u32 s1, $0x11  }
0xc4: {  	s0 =	sor.u32 s1, s0  }
0xc5: {  	s0 =	sadd.s32 $0x8F2B, s0  }
0xc6: {  	[sflag:s0] =	ssyncadd.remote.s32 $0x1  }
0xc7: {  	_ =	sfence.sel $0xFFFF  }
0xc8: {  	[dreg:$0x0] =	wrdreg $0xFFFFFFFF;
	(pc) =	sbr.abs _section_cstart, $3  }
0xc9: {  	[dreg:$0x1] =	wrdreg $0xFFFFFFFF  }
0xca: {  	_ =	task.clear_ibuf [dreg:s10], $0x2FFFF;
	_ =	strace $0x9FFFFFFF  }
0xcb: {  	(tm) =	ssettm $0x7FFFFFFF  }
tec
execute0_lowered:
.L_overlay_start_1:
0x0: {  	(tag) =	ssettag $0x1  }
0x1: {  	s0 =	rddreg [dreg:$0x0]  }
0x2: {  	s1 =	rddreg [dreg:$0x1]  }
0x3: {  	s6 =	rddreg [dreg:$0x2]  }
0x4: {  	s7 =	rddreg [dreg:$0x3]  }
0x5: {  	s2 =	srdreg.scid;
	s3 =	stileid.u32;
	s4 =	simm.s32 $0x0  }
0x6: {  	s18 =	simm.s32 $0x1;
	s20 =	simm.s32 $0xA00;
	s21 =	simm.s32 $0x2  }
0x7: {  	s28 =	simm.s32 $0x4;
	s2 =	sand.u32 $0x1, s2;
	s5 =	sshll.u32 s3, $0x1  }
0x8: {  	[smem:$0x7FF] =	sst s4;
	s8 =	sadd.s32 $0x1200, s0;
	s25 =	sadd.s32 $0x19A00, s0  }
0x9: {  	s5 =	sor.u32 s2, s5;
	_ =	strace $0x80000047;
	[dreg:$0x7] =	wrdreg s8  }
0xa: {  	s9 =	sadd.s32 $0x10, s1;
	[dreg:$0x8] =	wrdreg s25;
	s10 =	smul.u32 $0x140, s5  }
0xb: {  	s2 =	ssub.s32 $0x2, s2;
	s8 =	sadd.s32 $0x263A00, s0;
	s11 =	smul.u32 $0x1E0, s5  }
.Ltmp0:
0xc: {  	[dreg:$0x6] =	wrdreg s5;
	s1 =	sadd.s32 s10, s9;
	(pc) =	sbr.rel .LBB2_1-.Ltmp0, $4  }
0xd: {  	s26 =	sshrl.u32 s2, $0x1;
	s29 =	sadd.s32 s6, s11;
	[dreg:$0x9] =	wrdreg s1  }
0xe: {  	s0 =	ssub.s32 s2, s26;
	s31 =	sadd.s32 s7, s11;
	[dreg:$0xa] =	wrdreg s29  }
0xf: {  	s30 =	simm.s32 $0xE600;
	v0 =	vlaneseq.u32;
	s0 =	smax.u32 s0, $0x1;
	[dreg:$0xb] =	wrdreg s31  }
0x10: {  	p0 =	sne.s32 s3, $0x0;
	v0 =	vmul.u32 $0x10, v0;
	s2 =	simm.s32 $0x0;
	[dreg:$0xc] =	wrdreg s0  }
.LBB2_19:
0x11: {  	s0 =	simm.s32 $0x3  }
0x12: {  	_ =	swait.ge [sflag:s0], $0x1400  }
0x13: {  	[sflag:s0] =	ssyncset.done $0x0  }
0x14: {  	[sflag:s0] =	ssyncadd.s32 $0xFFFFEC00  }
0x15: {  	_ =	swait.ge [sflag:s0], $0x1400  }
0x16: {  	[sflag:s0] =	ssyncset.done $0x0  }
0x17: {  	[sflag:s0] =	ssyncadd.s32 $0xFFFFEC00  }
0x18: {  	_ =	swait.ge [sflag:s0], $0x1400  }
0x19: {  	[sflag:s0] =	ssyncset.done $0x0  }
0x1a: {  	[sflag:s0] =	ssyncadd.s32 $0xFFFFEC00  }
0x1b: {  	_ =	swait.ge [sflag:s0], $0x1400  }
0x1c: {  	[sflag:s0] =	ssyncset.done $0x0  }
0x1d: {  	[sflag:s0] =	ssyncadd.s32 $0xFFFFEC00  }
0x1e: {  	_ =	swait.ge [sflag:s0], $0x1400  }
0x1f: {  	[sflag:s0] =	ssyncset.done $0x0  }
0x20: {  	[sflag:s0] =	ssyncadd.s32 $0xFFFFEC00;
	s0 =	simm.s32 @!p0 $0x6  }
0x21: {  	_ =	swait.ge @!p0 [sflag:s0], $0x1400  }
0x22: {  	[sflag:s0] =	ssyncset.done @!p0 $0x0  }
0x23: {  	[sflag:s0] =	ssyncadd.s32 @!p0 $0xFFFFEC00  }
0x24: {  	_ =	swait.ge @!p0 [sflag:s0], $0x1400  }
0x25: {  	[sflag:s0] =	ssyncset.done @!p0 $0x0  }
0x26: {  	[sflag:s0] =	ssyncadd.s32 @!p0 $0xFFFFEC00  }
0x27: {  	_ =	swait.ge @!p0 [sflag:s0], $0x1400  }
0x28: {  	[sflag:s0] =	ssyncset.done @!p0 $0x0  }
0x29: {  	[sflag:s0] =	ssyncadd.s32 @!p0 $0xFFFFEC00  }
0x2a: {  	_ =	swait.ge @!p0 [sflag:s0], $0x1400  }
0x2b: {  	[sflag:s0] =	ssyncset.done @!p0 $0x0  }
0x2c: {  	[sflag:s0] =	ssyncadd.s32 @!p0 $0xFFFFEC00  }
0x2d: {  	_ =	swait.ge @!p0 [sflag:s0], $0x1400  }
0x2e: {  	s2 =	rddreg [dreg:$0xd]  }
0x2f: {  	s1 =	rddreg [dreg:$0xc];
	s2 =	sadd.s32 $0x1, s2  }
0x30: {  	p1 =	sne.s32 s2, s1  }
.Ltmp1:
0x31: {  	_ = 	snop;
	(pc) =	sbr.rel @!p1 .LBB2_20-.Ltmp1, $3  }
0x32: {  	_ =	sdelay $0x1  }
0x33: {  	[sflag:s0] =	ssyncset.done @!p0 $0x0  }
0x34: {  	[sflag:s0] =	ssyncadd.s32 @!p0 $0xFFFFEC00  }
.LBB2_1:
0x35: {  	[dreg:$0xd] =	wrdreg s2  }
0x36: {  	s0 =	rddreg [dreg:$0x9];
	s1 =	simm.s32 $0x80;
	s22 =	simm.s32 $0x100  }
0x37: {  	[tilespmem:s4], [sflag:$0x1] =	stream.strided.gather [hbm4b:s0+s1], $0x500, s22, s1, $0x38;
	[tilespmem:$0x1B800] =	vst v63  }
0x38: {  	s23 =	rddreg [dreg:$0xa];
	s24 =	simm.s32 $0x5A00  }
0x39: {  	[tilespmem:s24], [sflag:$0x1] =	stream.linear.gather [hbm4b:s23+s4], $0xF00, $0x38;
	[tilespmem:$0x1B800] =	vst v63  }
0x3a: {  	s25 =	rddreg [dreg:$0xb];
	s26 =	simm.s32 $0x6900  }
0x3b: {  	[tilespmem:s26], [sflag:$0x1] =	stream.linear.gather [hbm4b:s25+s4], $0xF00, $0x38;
	[tilespmem:$0x1B800] =	vst v63  }
0x3c: {  	s29 =	sand.u32 $0x1E00, s4;
	_ =	swait.ge [sflag:s18], $0x500  }
0x3d: {  	s31 =	sand.u32 $0x70, s4;
	s0 =	sshrl.u32 s29, $0x2;
	[sflag:s18] =	ssyncset.done $0x0  }
0x3e: {  	s1 =	sor.u32 s31, s0;
	[sflag:s18] =	ssyncadd.s32 $0xFFFFFB00  }
0x3f: {  	v1 =	vld [tilespmem:s1+$0x0]  }
0x40: {  	s2 =	simm.s32 $0x0;
	s0 =	simm.s32 $0x40;
	s1 =	simm.s32 $0x10  }
.LBB2_2:
0x41: {  	s3 =	sand.u32 $0x1E00, s0;
	p1 =	sne.s32 s0, $0x13C0  }
0x42: {  	s10 =	smov.u32 s0;
	s0 =	sadd.s32 $0x40, s0;
	s11 =	sand.u32 $0x70, s1  }
.Ltmp2:
0x43: {  	s2 =	sshra.s32 s2, $0x2;
	s3 =	sshrl.u32 s3, $0x2;
	(pc) =	sbr.rel @p1 .LBB2_2-.Ltmp2, $3  }
0x44: {  	s3 =	sor.u32 s11, s3;
	[tilespmem:s2+$0x500] =	vst v1;
	s2 =	smov.u32 s10  }
0x45: {  	v1 =	vld [tilespmem:s3+$0x0];
	_ =	sdelay $0x1  }
0x46: {  	s1 =	sadd.s32 $0x10, s1  }
.Ltmp3:
0x47: {  	(pc) =	sbr.rel .LBB2_4-.Ltmp3, $4  }
0x48: {  	_ = 	snop  }
0x49: {  	s0 =	sshra.s32 s2, $0x2  }
0x4a: {  	s31 =	rddreg [dreg:$0x7];
	s1 =	simm.s32 $0x500;
	s12 =	simm.s32 $0x0;
	[tilespmem:s0+$0x500] =	vst v1  }
0x4b: {  	[tilespmem:s20], [sflag:$0x2] =	stream.indirect.gather [hbm4b:s31+s1], $0x10, s1, s1, $0xb8;
	[tilespmem:$0x1B800] =	vst v63  }
.LBB2_18:
0x4c: {  	s12 =	sadd.s32 $0x1, s12  }
0x4d: {  	p1 =	sne.s32 s12, $0x14  }
.Ltmp4:
0x4e: {  	_ = 	snop;
	(pc) =	sbr.rel @!p1 .LBB2_19-.Ltmp4, $1  }
0x4f: {  	_ =	sdelay $0x3  }
.LBB2_4:
0x50: {  	s0 =	sshll.u32 s12, $0x6;
	s1 =	rddreg [dreg:$0x6]  }
0x51: {  	s11 =	sor.u32 s1, s0  }
0x52: {  	s13 =	sor.u32 $0x20, s11  }
0x53: {  	p1 =	sgt.u32 s13, $0x4E1  }
0x54: {  	s0 =	smul.u32 @!p1 $0x140, s13  }
0x55: {  	s1 =	simm.s32 @!p1 $0x80;
	s2 =	simm.s32 @!p1 $0x100  }
0x56: {  	s3 =	simm.s32 @!p1 $0xDC00;
	s10 =	smul.u32 @!p1 $0x1E0, s13;
	s0 =	sadd.s32 @!p1 s0, s9  }
0x57: {  	[tilespmem:s3], [sflag:$0x4] =	stream.strided.gather @!p1 [hbm4b:s0+s1], $0x500, s2, s1, $0x38;
	[tilespmem:$0x1B800] =	vst v63  }
0x58: {  	s0 =	rddreg [dreg:$0x2]  }
0x59: {  	s1 =	simm.s32 @!p1 $0x0;
	s2 =	simm.s32 @!p1 $0x13600;
	s0 =	sadd.s32 @!p1 s0, s10  }
0x5a: {  	[tilespmem:s2], [sflag:$0x4] =	stream.linear.gather @!p1 [hbm4b:s0+s1], $0xF00, $0x38;
	[tilespmem:$0x1B800] =	vst v63  }
0x5b: {  	s0 =	rddreg [dreg:$0x3]  }
0x5c: {  	s2 =	simm.s32 @!p1 $0x14500;
	s0 =	sadd.s32 @!p1 s0, s10  }
0x5d: {  	[tilespmem:s2], [sflag:$0x4] =	stream.linear.gather @!p1 [hbm4b:s0+s1], $0xF00, $0x38;
	[tilespmem:$0x1B800] =	vst v63  }
0x5e: {  	p2 =	seq.s32 s12, $0x0;
	s0 =	sadd.s32 $0xFFFFFFC0, s11  }
0x5f: {  	p3 =	sgt.u32 @!p2 s0, $0x4E1  }
0x60: {  	p3 =	por p3, p2  }
0x61: {  	s0 =	simm.s32 @!p3 $0x3  }
0x62: {  	_ =	swait.ge @!p3 [sflag:s0], $0x1400  }
0x63: {  	[sflag:s0] =	ssyncset.done @!p3 $0x0  }
0x64: {  	[sflag:s0] =	ssyncadd.s32 @!p3 $0xFFFFEC00  }
0x65: {  	_ =	swait.ge @!p3 [sflag:s0], $0x1400  }
0x66: {  	[sflag:s0] =	ssyncset.done @!p3 $0x0  }
0x67: {  	[sflag:s0] =	ssyncadd.s32 @!p3 $0xFFFFEC00  }
0x68: {  	_ =	swait.ge @!p3 [sflag:s0], $0x1400  }
0x69: {  	[sflag:s0] =	ssyncset.done @!p3 $0x0  }
0x6a: {  	[sflag:s0] =	ssyncadd.s32 @!p3 $0xFFFFEC00  }
0x6b: {  	_ =	swait.ge @!p3 [sflag:s0], $0x1400  }
0x6c: {  	[sflag:s0] =	ssyncset.done @!p3 $0x0  }
0x6d: {  	[sflag:s0] =	ssyncadd.s32 @!p3 $0xFFFFEC00  }
0x6e: {  	_ =	swait.ge @!p3 [sflag:s0], $0x1400  }
0x6f: {  	[sflag:s0] =	ssyncset.done @!p3 $0x0  }
0x70: {  	[sflag:s0] =	ssyncadd.s32 @!p3 $0xFFFFEC00  }
0x71: {  	_ =	swait.ge [sflag:s21], $0x5000  }
0x72: {  	[sflag:s21] =	ssyncset.done $0x0  }
0x73: {  	[sflag:s21] =	ssyncadd.s32 $0xFFFFB000  }
0x74: {  	_ =	swait.ge [sflag:s18], $0xF00  }
0x75: {  	[sflag:s18] =	ssyncset.done $0x0  }
0x76: {  	s2 =	simm.s32 $0x0;
	[sflag:s18] =	ssyncadd.s32 $0xFFFFF100  }
0x77: {  	s3 =	simm.s32 $0x0;
	s0 =	smul.u32 $0x180, s2;
	_ =	swait.ge [sflag:s18], $0xF00  }
0x78: {  	s2 =	sand.u32 $0x60, s3;
	[sflag:s18] =	ssyncset.done $0x0  }
0x79: {  	v1 =	vmov s3;
	s5 =	sor.u32 s2, s0;
	[sflag:s18] =	ssyncadd.s32 $0xFFFFF100  }
0x7a: {  	v1 =	vshll.u32 v1, $0x4;
	s6 =	sadd.s32 $0x80, s0;
	v6 =	vld [tilespmem:s5+$0x6900]  }
0x7b: {  	v1 =	vor.u32 v0, v1;
	s1 =	sadd.s32 $0x100, s0;
	s7 =	sor.u32 s2, s6;
	v2 =	vld [tilespmem:s5+$0x5A00]  }
0x7c: {  	v3 =	vor.u32 $0x9, v1;
	s14 =	sor.u32 s2, s1;
	v7 =	vld [tilespmem:s7+$0x6900]  }
0x7d: {  	v4 =	vor.u32 $0x6, v1;
	v8 =	vld [tilespmem:s14+$0x6900]  }
0x7e: {  	v5 =	vor.u32 $0x7, v1;
	v10 =	vld [tilespmem:s14+$0x5A00]  }
0x7f: {  	v9 =	vor.u32 $0xB, v1;
	v11 =	vld [tilespmem:s7+$0x5A00]  }
0x80: {  	v13 =	vor.u32 $0x8, v1;
	v12 =	vld.idx.msk [tilespmem:v1+s20+$0x0], $0xffff  }
0x81: {  	v18 =	vor.u32 $0x4, v1;
	v15 =	vld.idx.msk [tilespmem:v3+s20+$0x0], $0xffff  }
0x82: {  	v3 =	vor.u32 $0xC, v1;
	v16 =	vld.idx.msk [tilespmem:v4+s20+$0x0], $0xffff  }
0x83: {  	v14 =	vor.u32 $0x1, v1;
	v17 =	vld.idx.msk [tilespmem:v5+s20+$0x0], $0xffff  }
0x84: {  	s10 =	simm.s32 $0x10;
	v4 =	vor.u32 $0x2, v1;
	v22 =	vld.idx.msk [tilespmem:v9+s20+$0x0], $0xffff  }
0x85: {  	v5 =	vor.u32 $0x3, v1;
	v9 =	vmov s10;
	v13 =	vld.idx.msk [tilespmem:v13+s20+$0x0], $0xffff  }
0x86: {  	v19 =	vor.u32 $0x5, v1;
	v18 =	vld.idx.msk [tilespmem:v18+s20+$0x0], $0xffff;
	v9 =	vshll.u32 v9, $0x4  }
0x87: {  	v1 =	vor.u32 $0xA, v1;
	v23 =	vor.u32 v0, v9;
	v20 =	vld.idx.msk [tilespmem:v3+s20+$0x0], $0xffff  }
0x88: {  	v9 =	vor.u32 $0x1, v23;
	v3 =	vld.idx.msk [tilespmem:v14+s20+$0x0], $0xffff  }
0x89: {  	v4 =	vld.idx.msk [tilespmem:v4+s20+$0x0], $0xffff;
	v14 =	vor.u32 $0x3, v23  }
0x8a: {  	v24 =	vor.u32 $0x4, v23;
	v21 =	vld.idx.msk [tilespmem:v5+s20+$0x0], $0xffff;
	v5 =	vmul.f32 v2, v16;
	v25 =	vmul.f32 v11, v17  }
0x8b: {  	s19 =	simm.s32 $0x0;
	v27 =	vld.idx.msk [tilespmem:v19+s20+$0x0], $0xffff;
	v26 =	vor.u32 $0x6, v23  }
0x8c: {  	s16 =	sor.u32 s2, s19;
	v28 =	vor.u32 $0x7, v23;
	v29 =	vld.idx.msk [tilespmem:v1+s20+$0x0], $0xffff;
	v19 =	vadd.f32 v25, v5;
	v25 =	vmul.f32 v10, v13  }
0x8d: {  	[tilespmem:s16+$0x7800] =	vst v12;
	v5 =	vld.idx.msk [tilespmem:v9+s20+$0x0], $0xffff  }
0x8e: {  	s22 =	simm.s32 $0x8C00;
	v9 =	vmul.f32 v2, v12;
	v12 =	vadd.f32 v25, v19;
	[tilespmem:s16+$0x7880] =	vst v3;
	v1 =	vld.idx.msk [tilespmem:v14+s20+$0x0], $0xffff  }
0x8f: {  	s23 =	simm.s32 $0x8C80;
	s15 =	sor.u32 s2, s22;
	v14 =	vor.u32 $0x2, v23;
	v25 =	vmul.f32 v11, v3;
	v30 =	vmul.f32 v10, v4;
	[tilespmem:s16+$0x7900] =	vst v4;
	v3 =	vld.idx.msk [tilespmem:v24+s20+$0x0], $0xffff  }
0x90: {  	s26 =	simm.s32 $0x8D00;
	s31 =	sand.u32 $0x70, s10;
	s17 =	sor.u32 s2, s23;
	v24 =	vmul.f32 v2, v21;
	v19 =	vsub.f32 $1.000000000e+00, v20;
	v2 =	vld.idx.msk [tilespmem:v26+s20+$0x0], $0xffff;
	v12 =	vadd.f32 v12, v22;
	[tilespmem:s15+$0x0] =	vst v21  }
0x91: {  	s0 =	sor.u32 s0, s31;
	s5 =	simm.s32 $0xA000;
	v11 =	vmul.f32 v11, v18;
	v4 =	vld.idx.msk [tilespmem:v28+s20+$0x0], $0xffff;
	v21 =	vor.u32 $0x5, v23;
	s15 =	sor.u32 s2, s26;
	v25 =	vadd.f32 v25, v9;
	[tilespmem:s17+$0x0] =	vst v18  }
0x92: {  	s14 =	sor.u32 s31, s6;
	s6 =	simm.s32 $0xA080;
	s24 =	sor.u32 s2, s5;
	v8 =	vmul.f32 v8, v20;
	v26 =	vor.u32 $0x9, v23;
	v9 =	vld.idx.msk [tilespmem:v23+s20+$0x0], $0xffff;
	[tilespmem:s15+$0x0] =	vst v27;
	v12 =	vmul.f32 v12, v19  }
0x93: {  	s7 =	simm.s32 $0xA100;
	s25 =	sor.u32 s2, s6;
	v10 =	vmul.f32 v10, v27;
	v11 =	vadd.f32 v11, v24;
	v27 =	vld [tilespmem:s0+$0x5A00];
	[tilespmem:s24+$0x0] =	vst v16;
	v16 =	vadd.f32 v30, v25  }
0x94: {  	s2 =	sor.u32 s2, s7;
	v18 =	vor.u32 $0x8, v23;
	v25 =	vld [tilespmem:s14+$0x5A00];
	[tilespmem:s25+$0x0] =	vst v17;
	v8 =	vadd.f32 v12, v8  }
0x95: {  	v63 =	vor.u32 $0xA, v23;
	v10 =	vadd.f32 v10, v11;
	v14 =	vld.idx.msk [tilespmem:v14+s20+$0x0], $0xffff;
	[tilespmem:s2+$0x0] =	vst v13;
	v12 =	vadd.f32 v16, v15  }
0x96: {  	s17 =	sor.u32 s31, s1;
	v16 =	vmul.f32 v6, v20;
	v17 =	vld.idx.msk [tilespmem:v21+s20+$0x0], $0xffff;
	v6 =	vor.u32 $0xB, v23;
	v20 =	vmul.f32 v7, v20;
	[tilespmem:s16+$0xC900] =	vst v8  }
0x97: {  	v21 =	vadd.f32 v10, v29;
	v10 =	vld [tilespmem:s17+$0x5A00];
	v7 =	vor.u32 $0xC, v23;
	[tilespmem:s16+$0xB400] =	vst v15;
	v11 =	vmul.f32 v12, v19  }
0x98: {  	s29 =	sor.u32 s19, s31;
	s19 =	sor.u32 s31, s7;
	v13 =	vld.idx.msk [tilespmem:v26+s20+$0x0], $0xffff;
	[tilespmem:s16+$0xB500] =	vst v22;
	v22 =	vmul.f32 v27, v1;
	v12 =	vmul.f32 v27, v2  }
0x99: {  	s26 =	sor.u32 s31, s26;
	s1 =	sor.u32 s31, s5;
	s15 =	simm.s32 $0x0;
	v8 =	vld.idx.msk [tilespmem:v18+s20+$0x0], $0xffff;
	v23 =	vmul.f32 v27, v9;
	v18 =	vmul.f32 v25, v3;
	v24 =	vadd.f32 v11, v16  }
0x9a: {  	s24 =	sor.u32 s31, s22;
	s25 =	sor.u32 s31, s23;
	s2 =	sor.u32 s31, s6;
	[tilespmem:s16+$0xB480] =	vst v29;
	v15 =	vmul.f32 v25, v5;
	v16 =	vld.idx.msk [tilespmem:v63+s20+$0x0], $0xffff;
	v11 =	vmul.f32 v25, v4  }
.LBB2_5:
0x9b: {  	s15 =	sadd.s32 $0x2, s15;
	[tilespmem:s16+$0xC800] =	vst v24;
	v19 =	vmul.f32 v21, v19;
	v21 =	vld.idx.msk [tilespmem:v6+s20+$0x0], $0xffff;
	v22 =	vadd.f32 v18, v22  }
0x9c: {  	s10 =	sadd.s32 $0x20, s10;
	s3 =	sshrl.u32 s15, $0x3;
	v24 =	vld.idx.msk [tilespmem:v7+s20+$0x0], $0xffff;
	v6 =	vadd.f32 v15, v23;
	v23 =	vadd.f32 v11, v12  }
0x9d: {  	s5 =	sadd.s32 $0xFFFFFFF0, s10;
	v7 =	vmov s10;
	s22 =	sand.u32 $0x70, s10;
	s6 =	smul.u32 $0x180, s3;
	v25 =	vld [tilespmem:s14+$0x6900];
	v11 =	vmul.f32 v10, v14;
	v26 =	vmul.f32 v10, v17  }
0x9e: {  	s23 =	sand.u32 $0x60, s5;
	v7 =	vshll.u32 v7, $0x4;
	v12 =	vadd.f32 v19, v20;
	v20 =	vmul.f32 v10, v8;
	v19 =	vld [tilespmem:s17+$0x6900]  }
0x9f: {  	v15 =	vmov s5;
	v10 =	vor.u32 v0, v7;
	s5 =	sor.u32 s23, s6;
	v27 =	vld [tilespmem:s0+$0x6900];
	s0 =	sor.u32 s6, s22;
	v28 =	vadd.f32 v11, v6;
	[tilespmem:s29+$0x7880] =	vst v5  }
0xa0: {  	p3 =	slt.u32 s15, $0x4E;
	v5 =	vshll.u32 v15, $0x4;
	s7 =	sadd.s32 $0x80, s6;
	v30 =	vor.u32 $0x1, v10;
	v31 =	vor.u32 $0x3, v10;
	v29 =	vld [tilespmem:s5+$0x6900];
	[tilespmem:s16+$0xC880] =	vst v12  }
0xa1: {  	s6 =	sadd.s32 $0x100, s6;
	v33 =	vor.u32 $0x4, v10;
	v34 =	vor.u32 $0x6, v10;
	v5 =	vor.u32 v0, v5;
	s14 =	sor.u32 s22, s7;
	v32 =	vld [tilespmem:s5+$0x5A00];
	s5 =	sor.u32 s23, s7;
	[tilespmem:s29+$0x7900] =	vst v14  }
0xa2: {  	v37 =	vor.u32 $0x7, v10;
	s17 =	sor.u32 s22, s6;
	v35 =	vor.u32 $0x9, v5;
	s7 =	sor.u32 s23, s6;
	v14 =	vor.u32 $0x2, v10;
	v36 =	vld [tilespmem:s5+$0x6900];
	[tilespmem:s29+$0x7800] =	vst v9  }
0xa3: {  	v18 =	vor.u32 $0x5, v10;
	v15 =	vor.u32 $0x8, v10;
	v9 =	vor.u32 $0x6, v5;
	v38 =	vld [tilespmem:s7+$0x6900];
	[tilespmem:s24+$0x0] =	vst v1  }
0xa4: {  	v11 =	vor.u32 $0xA, v10;
	v12 =	vor.u32 $0x9, v10;
	v1 =	vor.u32 $0x7, v5;
	v39 =	vld [tilespmem:s7+$0x5A00];
	[tilespmem:s25+$0x0] =	vst v3  }
0xa5: {  	v6 =	vor.u32 $0xB, v10;
	v7 =	vor.u32 $0xC, v10;
	v3 =	vor.u32 $0xB, v5;
	v40 =	vld [tilespmem:s5+$0x5A00];
	[tilespmem:s26+$0x0] =	vst v17  }
0xa6: {  	v22 =	vadd.f32 v26, v22;
	v20 =	vadd.f32 v20, v23;
	v41 =	vor.u32 $0x8, v5;
	v17 =	vld.idx.msk [tilespmem:v5+s20+$0x0], $0xffff;
	[tilespmem:s1+$0x0] =	vst v2  }
0xa7: {  	v26 =	vadd.f32 v28, v13;
	v28 =	vsub.f32 $1.000000000e+00, v24;
	v2 =	vor.u32 $0xC, v5;
	v23 =	vld.idx.msk [tilespmem:v35+s20+$0x0], $0xffff;
	[tilespmem:s2+$0x0] =	vst v4  }
0xa8: {  	v22 =	vadd.f32 v22, v16;
	v20 =	vadd.f32 v20, v21;
	v4 =	vor.u32 $0x1, v5;
	v9 =	vld.idx.msk [tilespmem:v9+s20+$0x0], $0xffff;
	[tilespmem:s19+$0x0] =	vst v8  }
0xa9: {  	v8 =	vor.u32 $0x2, v5;
	v35 =	vld.idx.msk [tilespmem:v1+s20+$0x0], $0xffff;
	[tilespmem:s29+$0xB400] =	vst v13;
	v1 =	vmul.f32 v27, v24;
	v13 =	vmul.f32 v26, v28  }
0xaa: {  	v26 =	vor.u32 $0x3, v5;
	v27 =	vld.idx.msk [tilespmem:v3+s20+$0x0], $0xffff;
	[tilespmem:s29+$0xB480] =	vst v16;
	v3 =	vmul.f32 v22, v28;
	v16 =	vmul.f32 v20, v28  }
0xab: {  	v19 =	vmul.f32 v19, v24;
	v20 =	vor.u32 $0x4, v5;
	v22 =	vld.idx.msk [tilespmem:v41+s20+$0x0], $0xffff;
	[tilespmem:s29+$0xB500] =	vst v21;
	v21 =	vmul.f32 v25, v24  }
0xac: {  	v24 =	vor.u32 $0x5, v5;
	v1 =	vadd.f32 v13, v1;
	v25 =	vld.idx.msk [tilespmem:v2+s20+$0x0], $0xffff;
	v2 =	vmul.f32 v32, v17  }
0xad: {  	v5 =	vor.u32 $0xA, v5;
	v13 =	vadd.f32 v16, v19;
	v4 =	vld.idx.msk [tilespmem:v4+s20+$0x0], $0xffff;
	v3 =	vadd.f32 v3, v21  }
0xae: {  	v8 =	vld.idx.msk [tilespmem:v8+s20+$0x0], $0xffff;
	[tilespmem:s29+$0xC800] =	vst v1  }
0xaf: {  	v1 =	vmul.f32 v32, v9;
	v19 =	vmul.f32 v40, v35;
	v16 =	vld.idx.msk [tilespmem:v26+s20+$0x0], $0xffff;
	[tilespmem:s29+$0xC880] =	vst v3  }
0xb0: {  	s2 =	sshll.u32 s3, $0x9;
	v21 =	vld.idx.msk [tilespmem:v20+s20+$0x0], $0xffff;
	[tilespmem:s29+$0xC900] =	vst v13  }
0xb1: {  	s16 =	sor.u32 s23, s2;
	v1 =	vadd.f32 v19, v1;
	v3 =	vmul.f32 v39, v22;
	s29 =	sor.u32 s2, s22;
	v13 =	vld.idx.msk [tilespmem:v24+s20+$0x0], $0xffff  }
0xb2: {  	v26 =	vmul.f32 v29, v25;
	v20 =	vmul.f32 v36, v25;
	v24 =	vld.idx.msk [tilespmem:v5+s20+$0x0], $0xffff;
	[tilespmem:s16+$0x7800] =	vst v17  }
0xb3: {  	s1 =	sadd.s32 $0x8C00, s2;
	v17 =	vmul.f32 v40, v4;
	v3 =	vadd.f32 v3, v1;
	[tilespmem:s16+$0x7880] =	vst v4;
	v5 =	vld.idx.msk [tilespmem:v30+s20+$0x0], $0xffff  }
0xb4: {  	s5 =	sadd.s32 $0x8C80, s2;
	s3 =	sor.u32 s23, s1;
	s24 =	sor.u32 s22, s1;
	v28 =	vmul.f32 v39, v8;
	[tilespmem:s16+$0x7900] =	vst v8;
	v1 =	vld.idx.msk [tilespmem:v31+s20+$0x0], $0xffff  }
0xb5: {  	s1 =	sor.u32 s23, s5;
	s25 =	sor.u32 s22, s5;
	v19 =	vsub.f32 $1.000000000e+00, v25;
	v8 =	vmul.f32 v32, v16;
	v4 =	vadd.f32 v3, v27;
	[tilespmem:s3+$0x0] =	vst v16;
	s3 =	sadd.s32 $0x8D00, s2;
	v3 =	vld.idx.msk [tilespmem:v33+s20+$0x0], $0xffff  }
0xb6: {  	s5 =	sadd.s32 $0xA000, s2;
	v16 =	vadd.f32 v17, v2;
	v17 =	vmul.f32 v40, v21;
	[tilespmem:s1+$0x0] =	vst v21;
	s1 =	sor.u32 s23, s3;
	v2 =	vld.idx.msk [tilespmem:v34+s20+$0x0], $0xffff;
	s26 =	sor.u32 s22, s3  }
0xb7: {  	s6 =	sadd.s32 $0xA080, s2;
	s3 =	sor.u32 s23, s5;
	v21 =	vmul.f32 v38, v25;
	v25 =	vmul.f32 v4, v19;
	[tilespmem:s1+$0x0] =	vst v13;
	v4 =	vld.idx.msk [tilespmem:v37+s20+$0x0], $0xffff;
	s1 =	sor.u32 s22, s5  }
0xb8: {  	v8 =	vadd.f32 v17, v8;
	v13 =	vmul.f32 v39, v13;
	s5 =	sadd.s32 $0xA100, s2;
	s2 =	sor.u32 s22, s6;
	[tilespmem:s3+$0x0] =	vst v9;
	s3 =	sor.u32 s23, s6;
	v9 =	vld.idx.msk [tilespmem:v10+s20+$0x0], $0xffff  }
0xb9: {  	v10 =	vadd.f32 v28, v16;
	v16 =	vadd.f32 v25, v21;
	s19 =	sor.u32 s22, s5;
	[tilespmem:s3+$0x0] =	vst v35;
	s3 =	sor.u32 s23, s5;
	v25 =	vld [tilespmem:s14+$0x5A00]  }
0xba: {  	v8 =	vadd.f32 v13, v8;
	[tilespmem:s3+$0x0] =	vst v22;
	v28 =	vld [tilespmem:s0+$0x5A00]  }
0xbb: {  	v10 =	vadd.f32 v10, v23;
	[tilespmem:s16+$0xC900] =	vst v16;
	v14 =	vld.idx.msk [tilespmem:v14+s20+$0x0], $0xffff  }
.Ltmp5:
0xbc: {  	v21 =	vadd.f32 v8, v24;
	[tilespmem:s16+$0xB400] =	vst v23;
	v17 =	vld.idx.msk [tilespmem:v18+s20+$0x0], $0xffff;
	(pc) =	sbr.rel @p3 .LBB2_5-.Ltmp5, $4  }
0xbd: {  	v13 =	vmul.f32 v10, v19;
	[tilespmem:s16+$0xB480] =	vst v24;
	v8 =	vld.idx.msk [tilespmem:v15+s20+$0x0], $0xffff  }
0xbe: {  	[tilespmem:s16+$0xB500] =	vst v27;
	v10 =	vld [tilespmem:s17+$0x5A00];
	v15 =	vmul.f32 v25, v5;
	v18 =	vmul.f32 v25, v3  }
0xbf: {  	v24 =	vadd.f32 v13, v26;
	v13 =	vld.idx.msk [tilespmem:v12+s20+$0x0], $0xffff;
	v22 =	vmul.f32 v28, v1;
	v12 =	vmul.f32 v28, v2  }
0xc0: {  	v23 =	vmul.f32 v28, v9;
	v16 =	vld.idx.msk [tilespmem:v11+s20+$0x0], $0xffff;
	v11 =	vmul.f32 v25, v4  }
0xc1: {  	_ =	sdelay $0x3  }
0xc2: {  	v6 =	vld.idx.msk [tilespmem:v6+s20+$0x0], $0xffff  }
0xc3: {  	v7 =	vld.idx.msk [tilespmem:v7+s20+$0x0], $0xffff  }
0xc4: {  	v52 =	vld [tilespmem:s14+$0x6900]  }
0xc5: {  	v25 =	vld [tilespmem:s17+$0x6900];
	[tilespmem:s16+$0xC800] =	vst v24  }
0xc6: {  	v53 =	vld [tilespmem:s0+$0x6900];
	[tilespmem:s29+$0x7880] =	vst v5  }
0xc7: {  	[tilespmem:s29+$0x7900] =	vst v14  }
0xc8: {  	v19 =	vmul.f32 v21, v19;
	v54 =	vadd.f32 v18, v22;
	[tilespmem:s29+$0x7800] =	vst v9  }
0xc9: {  	v15 =	vadd.f32 v15, v23;
	v56 =	vadd.f32 v11, v12;
	[tilespmem:s24+$0x0] =	vst v1;
	v55 =	vmul.f32 v10, v14  }
0xca: {  	v19 =	vadd.f32 v19, v20;
	v57 =	vmul.f32 v10, v17;
	v58 =	vmul.f32 v10, v8;
	[tilespmem:s25+$0x0] =	vst v3  }
0xcb: {  	[tilespmem:s26+$0x0] =	vst v17;
	v1 =	vadd.f32 v55, v15  }
0xcc: {  	[tilespmem:s16+$0xC880] =	vst v19;
	v3 =	vadd.f32 v57, v54;
	v59 =	vadd.f32 v58, v56  }
0xcd: {  	[tilespmem:s1+$0x0] =	vst v2;
	v2 =	vsub.f32 $1.000000000e+00, v7;
	v1 =	vadd.f32 v1, v13  }
0xce: {  	[tilespmem:s2+$0x0] =	vst v4;
	v3 =	vadd.f32 v3, v16  }
0xcf: {  	v61 =	vmul.f32 v53, v7;
	v60 =	vadd.f32 v59, v6;
	[tilespmem:s19+$0x0] =	vst v8;
	v1 =	vmul.f32 v1, v2  }
0xd0: {  	v62 =	vmul.f32 v52, v7;
	[tilespmem:s29+$0xB400] =	vst v13;
	v3 =	vmul.f32 v3, v2  }
0xd1: {  	v63 =	vmul.f32 v25, v7;
	[tilespmem:s29+$0xB480] =	vst v16;
	v2 =	vmul.f32 v60, v2;
	v1 =	vadd.f32 v1, v61  }
0xd2: {  	[tilespmem:s29+$0xB500] =	vst v6;
	v3 =	vadd.f32 v3, v62  }
0xd3: {  	v2 =	vadd.f32 v2, v63;
	[tilespmem:s29+$0xC800] =	vst v1  }
0xd4: {  	s22 =	smul.u32 $0x1400, s11;
	[tilespmem:s29+$0xC880] =	vst v3  }
0xd5: {  	[tilespmem:s29+$0xC900] =	vst v2  }
0xd6: {  	s0 =	sshrl.u32 s22, $0x3;
	s1 =	rddreg [dreg:$0x8]  }
0xd7: {  	s23 =	simm.s32 $0x7800;
	s1 =	sadd.s32 s1, s0  }
0xd8: {  	[hbm4b:s1+s4] =	stream.linear.scatter [tilespmem:s23], [sflag:$0x3], $0x1400, $0x38;
	[tilespmem:$0x1B800] =	vst v63  }
0xd9: {  	s3 =	simm.s32 $0x8C00;
	s24 =	sadd.s32 $0xC3500, s1  }
0xda: {  	[hbm4b:s24+s4] =	stream.linear.scatter [tilespmem:s3], [sflag:$0x3], $0x1400, $0x38;
	[tilespmem:$0x1B800] =	vst v63  }
0xdb: {  	s25 =	simm.s32 $0xA000;
	s1 =	sadd.s32 $0x186A00, s1  }
0xdc: {  	[hbm4b:s1+s4] =	stream.linear.scatter [tilespmem:s25], [sflag:$0x3], $0x1400, $0x38;
	[tilespmem:$0x1B800] =	vst v63  }
.Ltmp6:
0xdd: {  	s26 =	rddreg [dreg:$0x4];
	(pc) =	sbr.rel @p1 .LBB2_10-.Ltmp6, $4  }
0xde: {  	s29 =	simm.s32 $0xB400;
	s1 =	sadd.s32 s26, s0  }
0xdf: {  	[hbm4b:s1+s4] =	stream.linear.scatter [tilespmem:s29], [sflag:$0x3], $0x1400, $0x38;
	[tilespmem:$0x1B800] =	vst v63  }
0xe0: {  	s31 =	simm.s32 $0xC800;
	p3 =	por $0x0, $0x0;
	s0 =	sadd.s32 s8, s0  }
0xe1: {  	[hbm4b:s0+s4] =	stream.linear.scatter [tilespmem:s31], [sflag:$0x3], $0x1400, $0x38;
	[tilespmem:$0x1B800] =	vst v63  }
0xe2: {  	s0 =	simm.s32 $0x0  }
0xe3: {  	_ =	swait.ge [sflag:s28], $0x500;
	s1 =	sand.u32 $0x1E00, s0  }
0xe4: {  	[sflag:s28] =	ssyncset.done $0x0;
	s2 =	sand.u32 $0x70, s0;
	s1 =	sshrl.u32 s1, $0x2  }
0xe5: {  	[sflag:s28] =	ssyncadd.s32 $0xFFFFFB00;
	s2 =	sor.u32 s2, s1  }
0xe6: {  	v1 =	vld [tilespmem:s2+$0xDC00]  }
0xe7: {  	s1 =	simm.s32 $0x40;
	s2 =	simm.s32 $0x10  }
.LBB2_8:
0xe8: {  	s3 =	sand.u32 $0x1E00, s1;
	p3 =	sne.s32 s1, $0x13C0  }
0xe9: {  	s5 =	smov.u32 s1;
	s1 =	sadd.s32 $0x40, s1;
	s6 =	sand.u32 $0x70, s2  }
.Ltmp7:
0xea: {  	s0 =	sshra.s32 s0, $0x2;
	s3 =	sshrl.u32 s3, $0x2;
	(pc) =	sbr.rel @p3 .LBB2_8-.Ltmp7, $3  }
0xeb: {  	s3 =	sor.u32 s6, s3;
	[tilespmem:s0+$0xE100] =	vst v1;
	s0 =	smov.u32 s5  }
0xec: {  	v1 =	vld [tilespmem:s3+$0xDC00];
	_ =	sdelay $0x1  }
0xed: {  	s2 =	sadd.s32 $0x10, s2  }
0xee: {  	p4 =	sgt.u32 s11, $0x4A1  }
0xef: {  	s0 =	sshra.s32 s0, $0x2;
	s2 =	rddreg [dreg:$0x7];
	s1 =	sadd.s32 @!p4 $0x40, s11  }
0xf0: {  	s3 =	simm.s32 $0x500;
	s5 =	simm.s32 $0xE100;
	[tilespmem:s0+$0xE100] =	vst v1;
	s0 =	smul.u32 @!p4 $0x140, s1  }
0xf1: {  	[tilespmem:s30], [sflag:$0x5] =	stream.indirect.gather [hbm4b:s2+s3], $0x10, s5, s3, $0xb8;
	[tilespmem:$0x1B800] =	vst v63  }
0xf2: {  	s1 =	smul.u32 @!p4 $0x1E0, s1;
	s2 =	simm.s32 @!p4 $0x80  }
0xf3: {  	s3 =	simm.s32 @!p4 $0x100;
	s5 =	simm.s32 @!p4 $0x0;
	s0 =	sadd.s32 @!p4 s0, s9  }
0xf4: {  	[tilespmem:s5], [sflag:$0x1] =	stream.strided.gather @!p4 [hbm4b:s0+s2], $0x500, s3, s2, $0x38;
	[tilespmem:$0x1B800] =	vst v63  }
0xf5: {  	s0 =	rddreg [dreg:$0x2]  }
0xf6: {  	s2 =	simm.s32 @!p4 $0x5A00;
	s0 =	sadd.s32 @!p4 s0, s1  }
0xf7: {  	[tilespmem:s2], [sflag:$0x1] =	stream.linear.gather @!p4 [hbm4b:s0+s5], $0xF00, $0x38;
	[tilespmem:$0x1B800] =	vst v63  }
0xf8: {  	p3 =	por $0x0, $0x0;
	p5 =	por @!p4 $0x1, $0x1;
	s0 =	rddreg [dreg:$0x3]  }
0xf9: {  	p3 =	por @!p4 p5, p5;
	s0 =	sadd.s32 @!p4 s0, s1;
	s1 =	simm.s32 @!p4 $0x6900  }
0xfa: {  	[tilespmem:s1], [sflag:$0x1] =	stream.linear.gather @!p4 [hbm4b:s0+s5], $0xF00, $0x38;
	[tilespmem:$0x1B800] =	vst v63  }
.LBB2_10:
0xfb: {  	s0 =	sadd.s32 $0xFFFFFFE0, s11  }
0xfc: {  	p4 =	sgt.u32 @!p2 s0, $0x4E1  }
0xfd: {  	p2 =	por p4, p2  }
0xfe: {  	s0 =	simm.s32 @!p2 $0x6  }
0xff: {  	_ =	swait.ge @!p2 [sflag:s0], $0x1400  }
0x100: {  	[sflag:s0] =	ssyncset.done @!p2 $0x0  }
0x101: {  	[sflag:s0] =	ssyncadd.s32 @!p2 $0xFFFFEC00  }
0x102: {  	_ =	swait.ge @!p2 [sflag:s0], $0x1400  }
0x103: {  	[sflag:s0] =	ssyncset.done @!p2 $0x0  }
0x104: {  	[sflag:s0] =	ssyncadd.s32 @!p2 $0xFFFFEC00  }
0x105: {  	_ =	swait.ge @!p2 [sflag:s0], $0x1400  }
0x106: {  	[sflag:s0] =	ssyncset.done @!p2 $0x0  }
0x107: {  	[sflag:s0] =	ssyncadd.s32 @!p2 $0xFFFFEC00  }
0x108: {  	_ =	swait.ge @!p2 [sflag:s0], $0x1400  }
.Ltmp8:
0x109: {  	[sflag:s0] =	ssyncset.done @!p2 $0x0;
	(pc) =	sbr.rel @p1 .LBB2_14-.Ltmp8, $4  }
0x10a: {  	[sflag:s0] =	ssyncadd.s32 @!p2 $0xFFFFEC00  }
0x10b: {  	_ =	swait.ge @!p2 [sflag:s0], $0x1400  }
0x10c: {  	[sflag:s0] =	ssyncset.done @!p2 $0x0  }
0x10d: {  	[sflag:s0] =	ssyncadd.s32 @!p2 $0xFFFFEC00  }
0x10e: {  	s0 =	simm.s32 $0x5  }
0x10f: {  	_ =	swait.ge [sflag:s0], $0x5000  }
0x110: {  	[sflag:s0] =	ssyncset.done $0x0  }
0x111: {  	[sflag:s0] =	ssyncadd.s32 $0xFFFFB000  }
0x112: {  	_ =	swait.ge [sflag:s28], $0xF00  }
0x113: {  	[sflag:s28] =	ssyncset.done $0x0  }
0x114: {  	s15 =	simm.s32 $0x0;
	[sflag:s28] =	ssyncadd.s32 $0xFFFFF100  }
0x115: {  	s1 =	simm.s32 $0x0;
	s0 =	smul.u32 $0x180, s15;
	_ =	swait.ge [sflag:s28], $0xF00  }
0x116: {  	s2 =	sand.u32 $0x60, s1;
	[sflag:s28] =	ssyncset.done $0x0  }
0x117: {  	v1 =	vmov s1;
	s16 =	sor.u32 s2, s0;
	[sflag:s28] =	ssyncadd.s32 $0xFFFFF100  }
0x118: {  	v1 =	vshll.u32 v1, $0x4;
	s3 =	sadd.s32 $0x80, s0;
	v6 =	vld [tilespmem:s16+$0x14500]  }
0x119: {  	v1 =	vor.u32 v0, v1;
	s17 =	sadd.s32 $0x100, s0;
	s5 =	sor.u32 s2, s3;
	v2 =	vld [tilespmem:s16+$0x13600]  }
0x11a: {  	v3 =	vor.u32 $0x9, v1;
	s6 =	sor.u32 s2, s17;
	v7 =	vld [tilespmem:s5+$0x14500]  }
0x11b: {  	v4 =	vor.u32 $0x6, v1;
	v8 =	vld [tilespmem:s6+$0x14500]  }
0x11c: {  	v5 =	vor.u32 $0x7, v1;
	v10 =	vld [tilespmem:s6+$0x13600]  }
0x11d: {  	v9 =	vor.u32 $0xB, v1;
	v11 =	vld [tilespmem:s5+$0x13600]  }
0x11e: {  	v13 =	vor.u32 $0x8, v1;
	v12 =	vld.idx.msk [tilespmem:v1+s30+$0x0], $0xffff  }
0x11f: {  	v18 =	vor.u32 $0x4, v1;
	v15 =	vld.idx.msk [tilespmem:v3+s30+$0x0], $0xffff  }
0x120: {  	v3 =	vor.u32 $0xC, v1;
	v16 =	vld.idx.msk [tilespmem:v4+s30+$0x0], $0xffff  }
0x121: {  	v14 =	vor.u32 $0x1, v1;
	v17 =	vld.idx.msk [tilespmem:v5+s30+$0x0], $0xffff  }
0x122: {  	s10 =	simm.s32 $0x10;
	v4 =	vor.u32 $0x2, v1;
	v22 =	vld.idx.msk [tilespmem:v9+s30+$0x0], $0xffff  }
0x123: {  	v5 =	vor.u32 $0x3, v1;
	v9 =	vmov s10;
	v13 =	vld.idx.msk [tilespmem:v13+s30+$0x0], $0xffff  }
0x124: {  	v19 =	vor.u32 $0x5, v1;
	v18 =	vld.idx.msk [tilespmem:v18+s30+$0x0], $0xffff;
	v9 =	vshll.u32 v9, $0x4  }
0x125: {  	v1 =	vor.u32 $0xA, v1;
	v23 =	vor.u32 v0, v9;
	v20 =	vld.idx.msk [tilespmem:v3+s30+$0x0], $0xffff  }
0x126: {  	v9 =	vor.u32 $0x1, v23;
	v3 =	vld.idx.msk [tilespmem:v14+s30+$0x0], $0xffff  }
0x127: {  	v4 =	vld.idx.msk [tilespmem:v4+s30+$0x0], $0xffff;
	v14 =	vor.u32 $0x3, v23  }
0x128: {  	v24 =	vor.u32 $0x4, v23;
	v21 =	vld.idx.msk [tilespmem:v5+s30+$0x0], $0xffff;
	v5 =	vmul.f32 v2, v16;
	v25 =	vmul.f32 v11, v17  }
0x129: {  	s11 =	simm.s32 $0x0;
	v27 =	vld.idx.msk [tilespmem:v19+s30+$0x0], $0xffff;
	v26 =	vor.u32 $0x6, v23  }
0x12a: {  	s16 =	sor.u32 s2, s11;
	v28 =	vor.u32 $0x7, v23;
	v29 =	vld.idx.msk [tilespmem:v1+s30+$0x0], $0xffff;
	v19 =	vadd.f32 v25, v5;
	v25 =	vmul.f32 v10, v13  }
0x12b: {  	[tilespmem:s16+$0x15400] =	vst v12;
	v5 =	vld.idx.msk [tilespmem:v9+s30+$0x0], $0xffff  }
0x12c: {  	s19 =	simm.s32 $0x16800;
	v9 =	vmul.f32 v2, v12;
	v12 =	vadd.f32 v25, v19;
	[tilespmem:s16+$0x15480] =	vst v3;
	v1 =	vld.idx.msk [tilespmem:v14+s30+$0x0], $0xffff  }
0x12d: {  	s24 =	sor.u32 s2, s19;
	s6 =	simm.s32 $0x16880;
	v14 =	vor.u32 $0x2, v23;
	v25 =	vmul.f32 v11, v3;
	v30 =	vmul.f32 v10, v4;
	[tilespmem:s16+$0x15500] =	vst v4;
	v3 =	vld.idx.msk [tilespmem:v24+s30+$0x0], $0xffff  }
0x12e: {  	s7 =	simm.s32 $0x16900;
	s25 =	sor.u32 s2, s6;
	v24 =	vmul.f32 v2, v21;
	v19 =	vsub.f32 $1.000000000e+00, v20;
	v2 =	vld.idx.msk [tilespmem:v26+s30+$0x0], $0xffff;
	v12 =	vadd.f32 v12, v22;
	[tilespmem:s24+$0x0] =	vst v21  }
0x12f: {  	s23 =	simm.s32 $0x17C00;
	s22 =	sand.u32 $0x70, s10;
	s26 =	sor.u32 s2, s7;
	v11 =	vmul.f32 v11, v18;
	v4 =	vld.idx.msk [tilespmem:v28+s30+$0x0], $0xffff;
	v21 =	vor.u32 $0x5, v23;
	v25 =	vadd.f32 v25, v9;
	[tilespmem:s25+$0x0] =	vst v18  }
0x130: {  	s29 =	sor.u32 s2, s23;
	s0 =	sor.u32 s0, s22;
	s5 =	simm.s32 $0x17C80;
	v8 =	vmul.f32 v8, v20;
	v26 =	vor.u32 $0x9, v23;
	v9 =	vld.idx.msk [tilespmem:v23+s30+$0x0], $0xffff;
	[tilespmem:s26+$0x0] =	vst v27;
	v12 =	vmul.f32 v12, v19  }
0x131: {  	s14 =	sor.u32 s22, s3;
	s31 =	sor.u32 s2, s5;
	v10 =	vmul.f32 v10, v27;
	v11 =	vadd.f32 v11, v24;
	v27 =	vld [tilespmem:s0+$0x13600];
	[tilespmem:s29+$0x0] =	vst v16;
	s29 =	simm.s32 $0x17D00;
	v16 =	vadd.f32 v30, v25  }
0x132: {  	v18 =	vor.u32 $0x8, v23;
	v25 =	vld [tilespmem:s14+$0x13600];
	[tilespmem:s31+$0x0] =	vst v17;
	s2 =	sor.u32 s2, s29;
	v8 =	vadd.f32 v12, v8  }
0x133: {  	v63 =	vor.u32 $0xA, v23;
	v10 =	vadd.f32 v10, v11;
	v14 =	vld.idx.msk [tilespmem:v14+s30+$0x0], $0xffff;
	[tilespmem:s2+$0x0] =	vst v13;
	v12 =	vadd.f32 v16, v15  }
0x134: {  	s17 =	sor.u32 s22, s17;
	v16 =	vmul.f32 v6, v20;
	v17 =	vld.idx.msk [tilespmem:v21+s30+$0x0], $0xffff;
	v6 =	vor.u32 $0xB, v23;
	v20 =	vmul.f32 v7, v20;
	[tilespmem:s16+$0x1A500] =	vst v8  }
0x135: {  	v21 =	vadd.f32 v10, v29;
	v10 =	vld [tilespmem:s17+$0x13600];
	v7 =	vor.u32 $0xC, v23;
	[tilespmem:s16+$0x19000] =	vst v15;
	v11 =	vmul.f32 v12, v19  }
0x136: {  	s1 =	sor.u32 s22, s23;
	s15 =	simm.s32 $0x0;
	v13 =	vld.idx.msk [tilespmem:v26+s30+$0x0], $0xffff;
	[tilespmem:s16+$0x19100] =	vst v22;
	v22 =	vmul.f32 v27, v1;
	v12 =	vmul.f32 v27, v2  }
0x137: {  	s11 =	sor.u32 s11, s22;
	s24 =	sor.u32 s22, s19;
	s25 =	sor.u32 s22, s6;
	v8 =	vld.idx.msk [tilespmem:v18+s30+$0x0], $0xffff;
	v23 =	vmul.f32 v27, v9;
	v18 =	vmul.f32 v25, v3;
	v24 =	vadd.f32 v11, v16  }
0x138: {  	s26 =	sor.u32 s22, s7;
	s19 =	sor.u32 s22, s29;
	s2 =	sor.u32 s22, s5;
	[tilespmem:s16+$0x19080] =	vst v29;
	v15 =	vmul.f32 v25, v5;
	v16 =	vld.idx.msk [tilespmem:v63+s30+$0x0], $0xffff;
	v11 =	vmul.f32 v25, v4  }
.LBB2_12:
0x139: {  	s15 =	sadd.s32 $0x2, s15;
	[tilespmem:s16+$0x1A400] =	vst v24;
	v19 =	vmul.f32 v21, v19;
	v21 =	vld.idx.msk [tilespmem:v6+s30+$0x0], $0xffff;
	v22 =	vadd.f32 v18, v22  }
0x13a: {  	s10 =	sadd.s32 $0x20, s10;
	s3 =	sshrl.u32 s15, $0x3;
	v24 =	vld.idx.msk [tilespmem:v7+s30+$0x0], $0xffff;
	v6 =	vadd.f32 v15, v23;
	v23 =	vadd.f32 v11, v12  }
0x13b: {  	s5 =	sadd.s32 $0xFFFFFFF0, s10;
	v7 =	vmov s10;
	s22 =	sand.u32 $0x70, s10;
	s6 =	smul.u32 $0x180, s3;
	v25 =	vld [tilespmem:s14+$0x14500];
	v11 =	vmul.f32 v10, v14;
	v26 =	vmul.f32 v10, v17  }
0x13c: {  	s23 =	sand.u32 $0x60, s5;
	v7 =	vshll.u32 v7, $0x4;
	v12 =	vadd.f32 v19, v20;
	v20 =	vmul.f32 v10, v8;
	v19 =	vld [tilespmem:s17+$0x14500]  }
0x13d: {  	v15 =	vmov s5;
	v10 =	vor.u32 v0, v7;
	s5 =	sor.u32 s23, s6;
	v27 =	vld [tilespmem:s0+$0x14500];
	s0 =	sor.u32 s6, s22;
	v28 =	vadd.f32 v11, v6;
	[tilespmem:s11+$0x15480] =	vst v5  }
0x13e: {  	p1 =	slt.u32 s15, $0x4E;
	v5 =	vshll.u32 v15, $0x4;
	s7 =	sadd.s32 $0x80, s6;
	v30 =	vor.u32 $0x1, v10;
	v31 =	vor.u32 $0x3, v10;
	v29 =	vld [tilespmem:s5+$0x14500];
	[tilespmem:s16+$0x1A480] =	vst v12  }
0x13f: {  	s6 =	sadd.s32 $0x100, s6;
	v33 =	vor.u32 $0x4, v10;
	v34 =	vor.u32 $0x6, v10;
	v5 =	vor.u32 v0, v5;
	s14 =	sor.u32 s22, s7;
	v32 =	vld [tilespmem:s5+$0x13600];
	s5 =	sor.u32 s23, s7;
	[tilespmem:s11+$0x15500] =	vst v14  }
0x140: {  	v37 =	vor.u32 $0x7, v10;
	s17 =	sor.u32 s22, s6;
	v35 =	vor.u32 $0x9, v5;
	s7 =	sor.u32 s23, s6;
	v14 =	vor.u32 $0x2, v10;
	v36 =	vld [tilespmem:s5+$0x14500];
	[tilespmem:s11+$0x15400] =	vst v9  }
0x141: {  	v18 =	vor.u32 $0x5, v10;
	v15 =	vor.u32 $0x8, v10;
	v9 =	vor.u32 $0x6, v5;
	v38 =	vld [tilespmem:s7+$0x14500];
	[tilespmem:s24+$0x0] =	vst v1  }
0x142: {  	v11 =	vor.u32 $0xA, v10;
	v12 =	vor.u32 $0x9, v10;
	v1 =	vor.u32 $0x7, v5;
	v39 =	vld [tilespmem:s7+$0x13600];
	[tilespmem:s25+$0x0] =	vst v3  }
0x143: {  	v6 =	vor.u32 $0xB, v10;
	v7 =	vor.u32 $0xC, v10;
	v3 =	vor.u32 $0xB, v5;
	v40 =	vld [tilespmem:s5+$0x13600];
	[tilespmem:s26+$0x0] =	vst v17  }
0x144: {  	v22 =	vadd.f32 v26, v22;
	v20 =	vadd.f32 v20, v23;
	v41 =	vor.u32 $0x8, v5;
	v17 =	vld.idx.msk [tilespmem:v5+s30+$0x0], $0xffff;
	[tilespmem:s1+$0x0] =	vst v2  }
0x145: {  	v26 =	vadd.f32 v28, v13;
	v28 =	vsub.f32 $1.000000000e+00, v24;
	v2 =	vor.u32 $0xC, v5;
	v23 =	vld.idx.msk [tilespmem:v35+s30+$0x0], $0xffff;
	[tilespmem:s2+$0x0] =	vst v4  }
0x146: {  	v22 =	vadd.f32 v22, v16;
	v20 =	vadd.f32 v20, v21;
	v4 =	vor.u32 $0x1, v5;
	v9 =	vld.idx.msk [tilespmem:v9+s30+$0x0], $0xffff;
	[tilespmem:s19+$0x0] =	vst v8  }
0x147: {  	v8 =	vor.u32 $0x2, v5;
	v35 =	vld.idx.msk [tilespmem:v1+s30+$0x0], $0xffff;
	[tilespmem:s11+$0x19000] =	vst v13;
	v1 =	vmul.f32 v27, v24;
	v13 =	vmul.f32 v26, v28  }
0x148: {  	v26 =	vor.u32 $0x3, v5;
	v27 =	vld.idx.msk [tilespmem:v3+s30+$0x0], $0xffff;
	[tilespmem:s11+$0x19080] =	vst v16;
	v3 =	vmul.f32 v22, v28;
	v16 =	vmul.f32 v20, v28  }
0x149: {  	v19 =	vmul.f32 v19, v24;
	v20 =	vor.u32 $0x4, v5;
	v22 =	vld.idx.msk [tilespmem:v41+s30+$0x0], $0xffff;
	[tilespmem:s11+$0x19100] =	vst v21;
	v21 =	vmul.f32 v25, v24  }
0x14a: {  	v24 =	vor.u32 $0x5, v5;
	v1 =	vadd.f32 v13, v1;
	v25 =	vld.idx.msk [tilespmem:v2+s30+$0x0], $0xffff;
	v2 =	vmul.f32 v32, v17  }
0x14b: {  	v5 =	vor.u32 $0xA, v5;
	v13 =	vadd.f32 v16, v19;
	v4 =	vld.idx.msk [tilespmem:v4+s30+$0x0], $0xffff;
	v3 =	vadd.f32 v3, v21  }
0x14c: {  	v8 =	vld.idx.msk [tilespmem:v8+s30+$0x0], $0xffff;
	[tilespmem:s11+$0x1A400] =	vst v1  }
0x14d: {  	v1 =	vmul.f32 v32, v9;
	v19 =	vmul.f32 v40, v35;
	v16 =	vld.idx.msk [tilespmem:v26+s30+$0x0], $0xffff;
	[tilespmem:s11+$0x1A480] =	vst v3  }
0x14e: {  	s2 =	sshll.u32 s3, $0x9;
	v21 =	vld.idx.msk [tilespmem:v20+s30+$0x0], $0xffff;
	[tilespmem:s11+$0x1A500] =	vst v13  }
0x14f: {  	s16 =	sor.u32 s23, s2;
	v1 =	vadd.f32 v19, v1;
	v3 =	vmul.f32 v39, v22;
	s11 =	sor.u32 s2, s22;
	v13 =	vld.idx.msk [tilespmem:v24+s30+$0x0], $0xffff  }
0x150: {  	v26 =	vmul.f32 v29, v25;
	v20 =	vmul.f32 v36, v25;
	v24 =	vld.idx.msk [tilespmem:v5+s30+$0x0], $0xffff;
	[tilespmem:s16+$0x15400] =	vst v17  }
0x151: {  	s1 =	sadd.s32 $0x16800, s2;
	v17 =	vmul.f32 v40, v4;
	v3 =	vadd.f32 v3, v1;
	[tilespmem:s16+$0x15480] =	vst v4;
	v5 =	vld.idx.msk [tilespmem:v30+s30+$0x0], $0xffff  }
0x152: {  	s5 =	sadd.s32 $0x16880, s2;
	s3 =	sor.u32 s23, s1;
	s24 =	sor.u32 s22, s1;
	v28 =	vmul.f32 v39, v8;
	[tilespmem:s16+$0x15500] =	vst v8;
	v1 =	vld.idx.msk [tilespmem:v31+s30+$0x0], $0xffff  }
0x153: {  	s1 =	sor.u32 s23, s5;
	s25 =	sor.u32 s22, s5;
	v19 =	vsub.f32 $1.000000000e+00, v25;
	v8 =	vmul.f32 v32, v16;
	v4 =	vadd.f32 v3, v27;
	[tilespmem:s3+$0x0] =	vst v16;
	s3 =	sadd.s32 $0x16900, s2;
	v3 =	vld.idx.msk [tilespmem:v33+s30+$0x0], $0xffff  }
0x154: {  	s5 =	sadd.s32 $0x17C00, s2;
	v16 =	vadd.f32 v17, v2;
	v17 =	vmul.f32 v40, v21;
	[tilespmem:s1+$0x0] =	vst v21;
	s1 =	sor.u32 s23, s3;
	v2 =	vld.idx.msk [tilespmem:v34+s30+$0x0], $0xffff;
	s26 =	sor.u32 s22, s3  }
0x155: {  	s6 =	sadd.s32 $0x17C80, s2;
	s3 =	sor.u32 s23, s5;
	v21 =	vmul.f32 v38, v25;
	v25 =	vmul.f32 v4, v19;
	[tilespmem:s1+$0x0] =	vst v13;
	v4 =	vld.idx.msk [tilespmem:v37+s30+$0x0], $0xffff;
	s1 =	sor.u32 s22, s5  }
0x156: {  	v8 =	vadd.f32 v17, v8;
	v13 =	vmul.f32 v39, v13;
	s5 =	sadd.s32 $0x17D00, s2;
	s2 =	sor.u32 s22, s6;
	[tilespmem:s3+$0x0] =	vst v9;
	s3 =	sor.u32 s23, s6;
	v9 =	vld.idx.msk [tilespmem:v10+s30+$0x0], $0xffff  }
0x157: {  	v10 =	vadd.f32 v28, v16;
	v16 =	vadd.f32 v25, v21;
	s19 =	sor.u32 s22, s5;
	[tilespmem:s3+$0x0] =	vst v35;
	s3 =	sor.u32 s23, s5;
	v25 =	vld [tilespmem:s14+$0x13600]  }
0x158: {  	v8 =	vadd.f32 v13, v8;
	[tilespmem:s3+$0x0] =	vst v22;
	v28 =	vld [tilespmem:s0+$0x13600]  }
0x159: {  	v10 =	vadd.f32 v10, v23;
	[tilespmem:s16+$0x1A500] =	vst v16;
	v14 =	vld.idx.msk [tilespmem:v14+s30+$0x0], $0xffff  }
.Ltmp9:
0x15a: {  	v21 =	vadd.f32 v8, v24;
	[tilespmem:s16+$0x19000] =	vst v23;
	v17 =	vld.idx.msk [tilespmem:v18+s30+$0x0], $0xffff;
	(pc) =	sbr.rel @p1 .LBB2_12-.Ltmp9, $4  }
0x15b: {  	v13 =	vmul.f32 v10, v19;
	[tilespmem:s16+$0x19080] =	vst v24;
	v8 =	vld.idx.msk [tilespmem:v15+s30+$0x0], $0xffff  }
0x15c: {  	[tilespmem:s16+$0x19100] =	vst v27;
	v10 =	vld [tilespmem:s17+$0x13600];
	v15 =	vmul.f32 v25, v5;
	v18 =	vmul.f32 v25, v3  }
0x15d: {  	v24 =	vadd.f32 v13, v26;
	v13 =	vld.idx.msk [tilespmem:v12+s30+$0x0], $0xffff;
	v22 =	vmul.f32 v28, v1;
	v12 =	vmul.f32 v28, v2  }
0x15e: {  	v23 =	vmul.f32 v28, v9;
	v16 =	vld.idx.msk [tilespmem:v11+s30+$0x0], $0xffff;
	v11 =	vmul.f32 v25, v4  }
0x15f: {  	_ =	sdelay $0x3  }
0x160: {  	v6 =	vld.idx.msk [tilespmem:v6+s30+$0x0], $0xffff  }
0x161: {  	v7 =	vld.idx.msk [tilespmem:v7+s30+$0x0], $0xffff  }
0x162: {  	v52 =	vld [tilespmem:s14+$0x14500]  }
0x163: {  	v25 =	vld [tilespmem:s17+$0x14500];
	[tilespmem:s16+$0x1A400] =	vst v24  }
0x164: {  	v53 =	vld [tilespmem:s0+$0x14500];
	[tilespmem:s11+$0x15480] =	vst v5  }
0x165: {  	[tilespmem:s11+$0x15500] =	vst v14  }
0x166: {  	v19 =	vmul.f32 v21, v19;
	v54 =	vadd.f32 v18, v22;
	[tilespmem:s11+$0x15400] =	vst v9  }
0x167: {  	v15 =	vadd.f32 v15, v23;
	v56 =	vadd.f32 v11, v12;
	[tilespmem:s24+$0x0] =	vst v1;
	v55 =	vmul.f32 v10, v14  }
0x168: {  	v19 =	vadd.f32 v19, v20;
	v57 =	vmul.f32 v10, v17;
	v58 =	vmul.f32 v10, v8;
	[tilespmem:s25+$0x0] =	vst v3  }
0x169: {  	[tilespmem:s26+$0x0] =	vst v17;
	v1 =	vadd.f32 v55, v15  }
0x16a: {  	[tilespmem:s16+$0x1A480] =	vst v19;
	v3 =	vadd.f32 v57, v54;
	v59 =	vadd.f32 v58, v56  }
0x16b: {  	[tilespmem:s1+$0x0] =	vst v2;
	v2 =	vsub.f32 $1.000000000e+00, v7;
	v1 =	vadd.f32 v1, v13  }
0x16c: {  	[tilespmem:s2+$0x0] =	vst v4;
	v3 =	vadd.f32 v3, v16  }
0x16d: {  	v61 =	vmul.f32 v53, v7;
	v60 =	vadd.f32 v59, v6;
	[tilespmem:s19+$0x0] =	vst v8;
	v1 =	vmul.f32 v1, v2  }
0x16e: {  	v62 =	vmul.f32 v52, v7;
	[tilespmem:s11+$0x19000] =	vst v13;
	v3 =	vmul.f32 v3, v2  }
0x16f: {  	v63 =	vmul.f32 v25, v7;
	[tilespmem:s11+$0x19080] =	vst v16;
	v2 =	vmul.f32 v60, v2;
	v1 =	vadd.f32 v1, v61  }
0x170: {  	[tilespmem:s11+$0x19100] =	vst v6;
	v3 =	vadd.f32 v3, v62  }
0x171: {  	v2 =	vadd.f32 v2, v63;
	[tilespmem:s11+$0x1A400] =	vst v1  }
0x172: {  	s22 =	smul.u32 $0x1400, s13;
	[tilespmem:s11+$0x1A480] =	vst v3  }
0x173: {  	[tilespmem:s11+$0x1A500] =	vst v2  }
0x174: {  	s0 =	sshrl.u32 s22, $0x3;
	s1 =	rddreg [dreg:$0x8]  }
0x175: {  	s23 =	simm.s32 $0x15400;
	s1 =	sadd.s32 s1, s0  }
0x176: {  	[hbm4b:s1+s4] =	stream.linear.scatter [tilespmem:s23], [sflag:$0x6], $0x1400, $0x38;
	[tilespmem:$0x1B800] =	vst v63  }
0x177: {  	s3 =	simm.s32 $0x16800;
	s24 =	sadd.s32 $0xC3500, s1  }
0x178: {  	[hbm4b:s24+s4] =	stream.linear.scatter [tilespmem:s3], [sflag:$0x6], $0x1400, $0x38;
	[tilespmem:$0x1B800] =	vst v63  }
0x179: {  	s25 =	simm.s32 $0x17C00;
	s26 =	rddreg [dreg:$0x4];
	s1 =	sadd.s32 $0x186A00, s1  }
0x17a: {  	[hbm4b:s1+s4] =	stream.linear.scatter [tilespmem:s25], [sflag:$0x6], $0x1400, $0x38;
	[tilespmem:$0x1B800] =	vst v63  }
0x17b: {  	s29 =	simm.s32 $0x19000;
	s1 =	sadd.s32 s26, s0  }
0x17c: {  	[hbm4b:s1+s4] =	stream.linear.scatter [tilespmem:s29], [sflag:$0x6], $0x1400, $0x38;
	[tilespmem:$0x1B800] =	vst v63  }
0x17d: {  	s31 =	simm.s32 $0x1A400;
	s0 =	sadd.s32 s8, s0  }
0x17e: {  	[hbm4b:s0+s4] =	stream.linear.scatter [tilespmem:s31], [sflag:$0x6], $0x1400, $0x38;
	[tilespmem:$0x1B800] =	vst v63  }
.LBB2_14:
.Ltmp10:
0x17f: {  	(pc) =	sbr.rel @!p3 .LBB2_18-.Ltmp10, $1  }
0x180: {  	_ =	sdelay $0x3  }
0x181: {  	s0 =	simm.s32 $0x0  }
0x182: {  	_ =	swait.ge [sflag:s18], $0x500;
	s1 =	sand.u32 $0x1E00, s0  }
0x183: {  	[sflag:s18] =	ssyncset.done $0x0;
	s2 =	sand.u32 $0x70, s0;
	s1 =	sshrl.u32 s1, $0x2  }
0x184: {  	[sflag:s18] =	ssyncadd.s32 $0xFFFFFB00;
	s2 =	sor.u32 s2, s1  }
0x185: {  	v1 =	vld [tilespmem:s2+$0x0]  }
0x186: {  	s1 =	simm.s32 $0x40;
	s2 =	simm.s32 $0x10  }
.LBB2_16:
0x187: {  	s3 =	sand.u32 $0x1E00, s1;
	p1 =	sne.s32 s1, $0x13C0  }
0x188: {  	s5 =	smov.u32 s1;
	s1 =	sadd.s32 $0x40, s1;
	s6 =	sand.u32 $0x70, s2  }
.Ltmp11:
0x189: {  	s0 =	sshra.s32 s0, $0x2;
	s3 =	sshrl.u32 s3, $0x2;
	(pc) =	sbr.rel @p1 .LBB2_16-.Ltmp11, $3  }
0x18a: {  	s3 =	sor.u32 s6, s3;
	[tilespmem:s0+$0x500] =	vst v1;
	s0 =	smov.u32 s5  }
0x18b: {  	v1 =	vld [tilespmem:s3+$0x0];
	_ =	sdelay $0x1  }
0x18c: {  	s2 =	sadd.s32 $0x10, s2  }
.Ltmp12:
0x18d: {  	(pc) =	sbr.rel .LBB2_18-.Ltmp12, $4  }
0x18e: {  	_ = 	snop  }
0x18f: {  	s0 =	sshra.s32 s0, $0x2  }
0x190: {  	s31 =	rddreg [dreg:$0x7];
	s1 =	simm.s32 $0x500;
	[tilespmem:s0+$0x500] =	vst v1  }
0x191: {  	[tilespmem:s20], [sflag:$0x2] =	stream.indirect.gather [hbm4b:s31+s1], $0x10, s1, s1, $0xb8;
	[tilespmem:$0x1B800] =	vst v63  }
.LBB2_20:
0x192: {  	_ =	sfence.sel $0x180000  }
0x193: {  	[bflag:$0x0] =	sbarrier.arrive $0xFFFF  }
0x194: {  	_ =	strace $0x90000047  }
0x195: {  	[bflag:$0x2] =	sbarrier.arrive $0xFFFF  }
0x196: {  	s0 =	rddreg [dreg:$0x5]  }
0x197: {  	s0 =	sadd.s32 @!p0 $0x100000, s0  }
0x198: {  	[sflag:s0] =	ssyncadd.tile.s32 @!p0 $0x1;
	_ =	shalt  }
.Lfunc_end2:
_tile_overlayer_lowered:
.L_overlay_start_2:
0x199: {  	(tag) =	ssettag $0x2  }
0x19a: {  	s0 =	rddreg [dreg:$0x0];
	s2 =	stileid.u32  }
0x19b: {  	s1 =	rddreg [dreg:$0x1];
	p0 =	sne.s32 s2, $0x0  }
0x19c: {  	s3 =	rddreg [dreg:$0x2];
	[bflag:$0x3] =	sbarrier.arrive $0xFFFF;
	s2 =	simm.s32 @!p0 $0x1C07  }
0x19d: {  	[timem:s3], [sflag:s2] =	dma.local @!p0 [hbm:s0], s1  }
0x19e: {  	s0 =	simm.s32 @!p0 $0x7  }
0x19f: {  	_ =	swait.ge @!p0 [sflag:s0], s1  }
0x1a0: {  	s1 =	ssub.s32 @!p0 $0x0, s1;
	[sflag:s0] =	ssyncset.done @!p0 $0x0  }
0x1a1: {  	[sflag:s0] =	ssyncadd.s32 @!p0 s1  }
0x1a2: {  	[bflag:$0x3] =	sbarrier.arrive $0xFFFF  }
0x1a3: {  	_ =	shalt  }

</sc_bundles>
